<compile_context>
chip_gen: v7x
topology: tpu7x:2x2x1
jax: 0.10.2.dev20260603
libtpu: 0.0.44.dev20260713+nightly
codegen_flags: <defaults>
</compile_context>

<pallas_src>
import functools

import jax
import jax.numpy as jnp
from jax import lax
from jax.experimental import pallas as pl
from jax.experimental.pallas import tpu as pltpu
from jax.experimental.pallas import tpu_sc as plsc

N = 10000
E = 320000
D_IN = 128
D_HID = 256
DH = 128

NC = 2
NS = 16
EP_ROWS = 2560
EP = EP_ROWS * 128
DUMMY = N

ROWS_PER_TILE_AGG = EP_ROWS // NS
IDX_ROWS = 40
IDX_PHASES = ROWS_PER_TILE_AGG // IDX_ROWS
ROWS_PER_TILE_DEG = EP_ROWS // (NC * NS)
SEED_FULL = 632
SEED_LAST = N - (NS - 1) * SEED_FULL
SEED_LAST_OFF = (NS - 1) * SEED_FULL
DEG_N = NS * SEED_FULL
DEG_PER_TILE = SEED_FULL

ROW_BLK = 2000


def _sc_mesh():
    return plsc.VectorSubcoreMesh(core_axis_name="c", subcore_axis_name="s")



def _deg_body(col_hbm, ones_hbm, zeros_hbm, deg_out, colbuf, ones_v, deg_sp):
    c = lax.axis_index("c")
    s = lax.axis_index("s")
    wid = c * NS + s

    r0 = s * DEG_PER_TILE
    pltpu.sync_copy(zeros_hbm.at[pl.ds(r0, DEG_PER_TILE)],
                    deg_sp.at[pl.ds(r0, DEG_PER_TILE)])
    pltpu.sync_copy(ones_hbm, ones_v)
    pltpu.sync_copy(col_hbm.at[pl.ds(wid * ROWS_PER_TILE_DEG, ROWS_PER_TILE_DEG)],
                    colbuf)
    plsc.subcore_barrier()

    def body(j, carry):
        pltpu.sync_copy(ones_v, deg_sp.at[colbuf.at[j]], add=True)
        return carry

    lax.fori_loop(0, ROWS_PER_TILE_DEG, body, 0)
    plsc.subcore_barrier()

    pltpu.sync_copy(deg_sp.at[pl.ds(r0, DEG_PER_TILE)],
                    deg_out.at[pl.ds(c * DEG_N + r0, DEG_PER_TILE)])


def _deg_call(col2d, ones128, zeros128):
    kern = pl.kernel(
        _deg_body,
        out_type=jax.ShapeDtypeStruct((NC * DEG_N, 128), jnp.float32),
        mesh=_sc_mesh(),
        scratch_types=[
            pltpu.VMEM((ROWS_PER_TILE_DEG, 128), jnp.int32),
            pltpu.VMEM((128, 128), jnp.float32),
            pltpu.VMEM_SHARED((DEG_N, 128), jnp.float32),
        ],
        name="gcn_degree_sc",
    )
    return kern(col2d, ones128, zeros128)



def _agg_body(h_hbm, rowsel_hbm, col_hbm, out_hbm, rowbuf, colbuf, rbuf0,
              rbuf1, gsem0, gsem1, ssem0, ssem1, agg_sp):
    c = lax.axis_index("c")
    s = lax.axis_index("s")
    base = c * N

    r0 = s * SEED_FULL

    @pl.when(s < NS - 1)
    def _():
        pltpu.sync_copy(h_hbm.at[pl.ds(base + r0, SEED_FULL)],
                        agg_sp.at[pl.ds(r0, SEED_FULL)])

    @pl.when(s == NS - 1)
    def _():
        pltpu.sync_copy(h_hbm.at[pl.ds(base + SEED_LAST_OFF, SEED_LAST)],
                        agg_sp.at[pl.ds(SEED_LAST_OFF, SEED_LAST)])

    e0 = s * ROWS_PER_TILE_AGG
    plsc.subcore_barrier()

    def phase(p, carry):
        pltpu.sync_copy(rowsel_hbm.at[c, pl.ds(e0 + p * IDX_ROWS, IDX_ROWS)],
                        rowbuf)
        pltpu.sync_copy(col_hbm.at[pl.ds(e0 + p * IDX_ROWS, IDX_ROWS)], colbuf)
        pltpu.async_copy(h_hbm.at[rowbuf.at[0]], rbuf0, gsem0)

        def pair(q, inner):
            j0 = 2 * q
            j1 = j0 + 1
            pltpu.make_async_copy(h_hbm.at[rowbuf.at[j0]], rbuf0, gsem0).wait()
            g1 = pltpu.async_copy(h_hbm.at[rowbuf.at[j1]], rbuf1, gsem1)
            s0 = pltpu.async_copy(rbuf0, agg_sp.at[colbuf.at[j0]], ssem0,
                                  add=True)
            g1.wait()
            s0.wait()

            @pl.when(q < IDX_ROWS // 2 - 1)
            def _():
                pltpu.async_copy(h_hbm.at[rowbuf.at[j0 + 2]], rbuf0, gsem0)

            s1 = pltpu.async_copy(rbuf1, agg_sp.at[colbuf.at[j1]], ssem1,
                                  add=True)
            s1.wait()
            return inner

        lax.fori_loop(0, IDX_ROWS // 2, pair, 0)
        return carry

    lax.fori_loop(0, IDX_PHASES, phase, 0)
    plsc.subcore_barrier()

    @pl.when(s < NS - 1)
    def _():
        pltpu.sync_copy(agg_sp.at[pl.ds(r0, SEED_FULL)],
                        out_hbm.at[pl.ds(base + r0, SEED_FULL)])

    @pl.when(s == NS - 1)
    def _():
        pltpu.sync_copy(agg_sp.at[pl.ds(SEED_LAST_OFF, SEED_LAST)],
                        out_hbm.at[pl.ds(base + SEED_LAST_OFF, SEED_LAST)])


def _agg_call(h_cat, rowsel, col2d):
    kern = pl.kernel(
        _agg_body,
        out_type=jax.ShapeDtypeStruct((NC * N, DH), jnp.float32),
        mesh=_sc_mesh(),
        scratch_types=[
            pltpu.VMEM((IDX_ROWS, 128), jnp.int32),
            pltpu.VMEM((IDX_ROWS, 128), jnp.int32),
            pltpu.VMEM((128, DH), jnp.float32),
            pltpu.VMEM((128, DH), jnp.float32),
            pltpu.SemaphoreType.DMA,
            pltpu.SemaphoreType.DMA,
            pltpu.SemaphoreType.DMA,
            pltpu.SemaphoreType.DMA,
            pltpu.VMEM_SHARED((N + 8, DH), jnp.float32),
        ],
        name="gcn_aggregate_sc",
    )
    return kern(h_cat, rowsel, col2d)



def _dinv(d0_ref, d1_ref):
    deg = d0_ref[:, 0:1] + d1_ref[:, 0:1] + 1.0
    return lax.rsqrt(deg)


def _mm1_body(x_ref, w_ref, d0_ref, d1_ref, out_ref):
    dinv = _dinv(d0_ref, d1_ref)
    h = jnp.dot(x_ref[:, :], w_ref[:, :],
                preferred_element_type=jnp.float32) * dinv
    out_ref[0, :, :] = h[:, :DH]
    out_ref[1, :, :] = h[:, DH:]


def _mm1_call(x, W1, deg0, deg1):
    grid = N // ROW_BLK
    return pl.pallas_call(
        _mm1_body,
        grid=(grid,),
        in_specs=[
            pl.BlockSpec((ROW_BLK, D_IN), lambda i: (i, 0)),
            pl.BlockSpec((D_IN, D_HID), lambda i: (0, 0)),
            pl.BlockSpec((ROW_BLK, 128), lambda i: (i, 0)),
            pl.BlockSpec((ROW_BLK, 128), lambda i: (i, 0)),
        ],
        out_specs=pl.BlockSpec((2, ROW_BLK, DH), lambda i: (0, i, 0)),
        out_shape=jax.ShapeDtypeStruct((2, N, DH), jnp.float32),
        name="gcn_mm1_tc",
    )(x, W1, deg0, deg1)


def _mm2_body(a0_ref, a1_ref, d0_ref, d1_ref, b1_ref, w_ref, out_ref):
    dinv = _dinv(d0_ref, d1_ref)
    a = jnp.concatenate([a0_ref[0, :, :], a1_ref[0, :, :]], axis=1)
    h = jnp.maximum(a * dinv + b1_ref[0, :][None, :], 0.0)
    h2 = jnp.dot(h, w_ref[:, :], preferred_element_type=jnp.float32) * dinv
    out_ref[0, :, :] = h2[:, :DH]
    out_ref[1, :, :] = h2[:, DH:]


def _mm2_call(agg, deg0, deg1, b1, W2):
    grid = N // ROW_BLK
    agg3 = agg.reshape(2, N, DH)
    return pl.pallas_call(
        _mm2_body,
        grid=(grid,),
        in_specs=[
            pl.BlockSpec((1, ROW_BLK, DH), lambda i: (0, i, 0)),
            pl.BlockSpec((1, ROW_BLK, DH), lambda i: (1, i, 0)),
            pl.BlockSpec((ROW_BLK, 128), lambda i: (i, 0)),
            pl.BlockSpec((ROW_BLK, 128), lambda i: (i, 0)),
            pl.BlockSpec((1, D_HID), lambda i: (0, 0)),
            pl.BlockSpec((D_HID, D_HID), lambda i: (0, 0)),
        ],
        out_specs=pl.BlockSpec((2, ROW_BLK, DH), lambda i: (0, i, 0)),
        out_shape=jax.ShapeDtypeStruct((2, N, DH), jnp.float32),
        name="gcn_mm2_tc",
    )(agg3, agg3, deg0, deg1, b1, W2)


def _final_body(a0_ref, a1_ref, d0_ref, d1_ref, b2_ref, out_ref):
    dinv = _dinv(d0_ref, d1_ref)
    a = jnp.concatenate([a0_ref[0, :, :], a1_ref[0, :, :]], axis=1)
    out_ref[:, :] = a * dinv + b2_ref[0, :][None, :]


def _final_call(agg, deg0, deg1, b2):
    grid = N // ROW_BLK
    agg3 = agg.reshape(2, N, DH)
    return pl.pallas_call(
        _final_body,
        grid=(grid,),
        in_specs=[
            pl.BlockSpec((1, ROW_BLK, DH), lambda i: (0, i, 0)),
            pl.BlockSpec((1, ROW_BLK, DH), lambda i: (1, i, 0)),
            pl.BlockSpec((ROW_BLK, 128), lambda i: (i, 0)),
            pl.BlockSpec((ROW_BLK, 128), lambda i: (i, 0)),
            pl.BlockSpec((1, D_HID), lambda i: (0, 0)),
        ],
        out_specs=pl.BlockSpec((ROW_BLK, D_HID), lambda i: (i, 0)),
        out_shape=jax.ShapeDtypeStruct((N, D_HID), jnp.float32),
        name="gcn_final_tc",
    )(agg3, agg3, deg0, deg1, b2)



def kernel(x, edge_index, W1, b1, W2, b2):
    row = edge_index[0]
    col = edge_index[1]
    pad = EP - E
    row_p = jnp.concatenate([row, jnp.zeros((pad,), jnp.int32)])
    col_p = jnp.concatenate([col, jnp.full((pad,), DUMMY, jnp.int32)])
    col2d = col_p.reshape(EP_ROWS, 128)
    row2d = row_p.reshape(EP_ROWS, 128)
    rowsel = jnp.stack([row2d, row2d + N])

    ones128 = jnp.ones((128, 128), jnp.float32)
    zeros128 = jnp.zeros((DEG_N, 128), jnp.float32)
    b1r = b1.reshape(1, D_HID)
    b2r = b2.reshape(1, D_HID)

    degp = _deg_call(col2d, ones128, zeros128)
    deg0 = degp[:N]
    deg1 = degp[DEG_N:DEG_N + N]

    h1 = _mm1_call(x, W1, deg0, deg1).reshape(NC * N, DH)
    agg1 = _agg_call(h1, rowsel, col2d)
    h2 = _mm2_call(agg1, deg0, deg1, b1r, W2).reshape(NC * N, DH)
    agg2 = _agg_call(h2, rowsel, col2d)
    return _final_call(agg2, deg0, deg1, b2r)

# --- scband reference (transcript-rebuilt; emitter-appended) ---
"""Pipeline reference for scband-graph-block-26637387169861 (READ-ONLY COPY).

The authoritative reference and input builder live on the scoring server;
editing this copy changes nothing except your own understanding.
"""

import jax, jax.numpy as jnp
import numpy as np

N = 10000
E = 320000
D_IN = 128
D_HID = 256


def _glorot(key, shape):
    fan_in, fan_out = shape[0], shape[1]
    limit = np.sqrt(6.0 / (fan_in + fan_out))
    return jax.random.uniform(key, shape, dtype=jnp.float32, minval=-limit, maxval=limit)


def setup_inputs(seed: int = 0) -> dict:
    key = jax.random.key(seed)
    k_x, k_e, k_w1, k_w2 = jax.random.split(key, 4)
    x = jax.random.normal(k_x, (N, D_IN), dtype=jnp.float32)
    edge_index = jax.random.randint(k_e, (2, E), 0, N, dtype=jnp.int32)
    W1 = _glorot(k_w1, (D_IN, D_HID))
    b1 = jnp.zeros((D_HID,), dtype=jnp.float32)
    W2 = _glorot(k_w2, (D_HID, D_HID))
    b2 = jnp.zeros((D_HID,), dtype=jnp.float32)
    return {"x": x, "edge_index": edge_index, "W1": W1, "b1": b1, "W2": W2, "b2": b2}


def _gcn_conv(x, edge_index, W, b):
    # PyG GCNConv: add self-loops, symmetric normalization D^-1/2 (A+I) D^-1/2 X W + b
    n = x.shape[0]
    x = x @ W
    loops = jnp.arange(n, dtype=edge_index.dtype)
    row = jnp.concatenate([edge_index[0], loops])  # source
    col = jnp.concatenate([edge_index[1], loops])  # target (aggregation node)
    ones = jnp.ones(row.shape[0], dtype=x.dtype)
    deg = jax.ops.segment_sum(ones, col, num_segments=n)
    deg_inv_sqrt = jnp.where(deg > 0, jax.lax.rsqrt(jnp.maximum(deg, 1e-12)), 0.0)
    norm = deg_inv_sqrt[row] * deg_inv_sqrt[col]
    msgs = norm[:, None] * jnp.take(x, row, axis=0)
    out = jax.ops.segment_sum(msgs, col, num_segments=n)
    return out + b


def reference(x, edge_index, W1, b1, W2, b2):
    h = _gcn_conv(x, edge_index, W1, b1)
    h = jax.nn.relu(h)
    out = _gcn_conv(h, edge_index, W2, b2)
    return out

if __name__ == "__main__":
    import jax
    _d = setup_inputs()
    print(jax.jit(kernel)(*tuple(_d.values())))

</pallas_src>

<mosaic_0001>
#map = affine_map<(d0, d1) -> (0, 0)>
#map1 = affine_map<(d0, d1) -> (0, 0, 0)>
module attributes {stable_mosaic.version = 14 : i64} {
  func.func @gcn_aggregate_sc(%arg0: i32, %arg1: i32, %arg2: memref<20000x128xf32, #tpu.memory_space<hbm>>, %arg3: memref<2x2560x128xi32, #tpu.memory_space<hbm>>, %arg4: memref<2560x128xi32, #tpu.memory_space<hbm>>, %arg5: memref<20000x128xf32, #tpu.memory_space<hbm>>, %arg6: memref<40x128xi32, #tpu.memory_space<vmem>>, %arg7: memref<40x128xi32, #tpu.memory_space<vmem>>, %arg8: memref<128x128xf32, #tpu.memory_space<vmem>>, %arg9: memref<128x128xf32, #tpu.memory_space<vmem>>, %arg10: memref<!tpu.dma_semaphore, #tpu.memory_space<semaphore_mem>>, %arg11: memref<!tpu.dma_semaphore, #tpu.memory_space<semaphore_mem>>, %arg12: memref<!tpu.dma_semaphore, #tpu.memory_space<semaphore_mem>>, %arg13: memref<!tpu.dma_semaphore, #tpu.memory_space<semaphore_mem>>, %arg14: memref<10008x128xf32, #tpu.memory_space<vmem_shared>>) attributes {dimension_semantics = [#tpu.dimension_semantics<core_parallel>, #tpu.dimension_semantics<subcore_parallel>], iteration_bounds = array<i64: 2, 16>, scalar_prefetch = 0 : i64, scratch_operands = 9 : i64, tpu.core_type = #tpu.core_type<sc_vector_subcore>, window_params = [{transform_indices = #map}, {transform_indices = #map1}, {transform_indices = #map}, {transform_indices = #map}]} {
    %mul3A = arith.constant 10000 : i32
    %mul3A_0 = arith.muli %arg0, %mul3A : i32
    %mul3A_1 = arith.constant 632 : i32
    %mul3A_2 = arith.muli %arg1, %mul3A_1 : i32
    %lt3A = arith.constant 15 : i32
    %lt3A_3 = arith.cmpi slt, %arg1, %lt3A : i32
    %convert_element_type3A = arith.extui %lt3A_3 : i1 to i32
    %cond3A = arith.constant 0 : i32
    %cond3A_4 = arith.cmpi ne, %convert_element_type3A, %cond3A : i32
    scf.if %cond3A_4 {
      %add3A = arith.addi %mul3A_0, %mul3A_2 : i32
      "tpu.region"() ({
        %run_scoped3A = tpu.sem_alloc : memref<!tpu.dma_semaphore, #tpu.memory_space<semaphore_mem>>
        %dma_start3A = arith.constant 0 : i32
        %dma_start3A_27 = tpu.memref_slice %arg14[%mul3A_2, %dma_start3A] : memref<10008x128xf32, #tpu.memory_space<vmem_shared>> -> memref<632x128xf32, #tpu.memory_space<vmem_shared>>
        %dma_start3A_28 = arith.constant 0 : i32
        %dma_start3A_29 = tpu.memref_slice %arg2[%add3A, %dma_start3A_28] : memref<20000x128xf32, #tpu.memory_space<hbm>> -> memref<632x128xf32, #tpu.memory_space<hbm>>
        tpu.enqueue_dma source(%dma_start3A_29 : memref<632x128xf32, #tpu.memory_space<hbm>>) target(%dma_start3A_27 : memref<632x128xf32, #tpu.memory_space<vmem_shared>>) target_semaphore(%run_scoped3A : memref<!tpu.dma_semaphore, #tpu.memory_space<semaphore_mem>>)
        %dma_wait3A = arith.constant 0 : i32
        %dma_wait3A_30 = tpu.memref_slice %arg14[%mul3A_2, %dma_wait3A] : memref<10008x128xf32, #tpu.memory_space<vmem_shared>> -> memref<632x128xf32, #tpu.memory_space<vmem_shared>>
        %dma_wait3A_31 = arith.constant 0 : i32
        %dma_wait3A_32 = tpu.memref_slice %arg2[%add3A, %dma_wait3A_31] : memref<20000x128xf32, #tpu.memory_space<hbm>> -> memref<632x128xf32, #tpu.memory_space<hbm>>
        tpu.wait_dma2 semaphore(%run_scoped3A : memref<!tpu.dma_semaphore, #tpu.memory_space<semaphore_mem>>) src(%dma_wait3A_32 : memref<632x128xf32, #tpu.memory_space<hbm>>) dst(%dma_wait3A_30 : memref<632x128xf32, #tpu.memory_space<vmem_shared>>)
        tpu.yield
      }) : () -> ()
    } else {
    }
    %eq3A = arith.constant 15 : i32
    %eq3A_5 = arith.cmpi eq, %arg1, %eq3A : i32
    %convert_element_type3A_6 = arith.extui %eq3A_5 : i1 to i32
    %cond3A_7 = arith.constant 0 : i32
    %cond3A_8 = arith.cmpi ne, %convert_element_type3A_6, %cond3A_7 : i32
    scf.if %cond3A_8 {
      %add3A = arith.constant 9480 : i32
      %add3A_27 = arith.addi %mul3A_0, %add3A : i32
      "tpu.region"() ({
        %run_scoped3A = tpu.sem_alloc : memref<!tpu.dma_semaphore, #tpu.memory_space<semaphore_mem>>
        %dma_start3A = arith.constant 9480 : i32
        %dma_start3A_28 = arith.constant 0 : i32
        %dma_start3A_29 = tpu.memref_slice %arg14[%dma_start3A, %dma_start3A_28] : memref<10008x128xf32, #tpu.memory_space<vmem_shared>> -> memref<520x128xf32, #tpu.memory_space<vmem_shared>>
        %dma_start3A_30 = arith.constant 0 : i32
        %dma_start3A_31 = tpu.memref_slice %arg2[%add3A_27, %dma_start3A_30] : memref<20000x128xf32, #tpu.memory_space<hbm>> -> memref<520x128xf32, #tpu.memory_space<hbm>>
        tpu.enqueue_dma source(%dma_start3A_31 : memref<520x128xf32, #tpu.memory_space<hbm>>) target(%dma_start3A_29 : memref<520x128xf32, #tpu.memory_space<vmem_shared>>) target_semaphore(%run_scoped3A : memref<!tpu.dma_semaphore, #tpu.memory_space<semaphore_mem>>)
        %dma_wait3A = arith.constant 9480 : i32
        %dma_wait3A_32 = arith.constant 0 : i32
        %dma_wait3A_33 = tpu.memref_slice %arg14[%dma_wait3A, %dma_wait3A_32] : memref<10008x128xf32, #tpu.memory_space<vmem_shared>> -> memref<520x128xf32, #tpu.memory_space<vmem_shared>>
        %dma_wait3A_34 = arith.constant 0 : i32
        %dma_wait3A_35 = tpu.memref_slice %arg2[%add3A_27, %dma_wait3A_34] : memref<20000x128xf32, #tpu.memory_space<hbm>> -> memref<520x128xf32, #tpu.memory_space<hbm>>
        tpu.wait_dma2 semaphore(%run_scoped3A : memref<!tpu.dma_semaphore, #tpu.memory_space<semaphore_mem>>) src(%dma_wait3A_35 : memref<520x128xf32, #tpu.memory_space<hbm>>) dst(%dma_wait3A_33 : memref<520x128xf32, #tpu.memory_space<vmem_shared>>)
        tpu.yield
      }) : () -> ()
    } else {
    }
    %mul3A_9 = arith.constant 160 : i32
    %mul3A_10 = arith.muli %arg1, %mul3A_9 : i32
    %barrier3A = arith.constant 0 : index
    tpu.barrier barrier_id(%barrier3A)
    %scan3A = arith.constant 0 : i32
    %scan3A_11 = arith.constant 0 : i32
    %scan3A_12 = arith.constant 4 : i32
    %scan3A_13 = arith.addi %scan3A_11, %scan3A_12 : i32
    %scan3A_14 = arith.constant 1 : i32
    scf.for %scan3A_27 = %scan3A_11 to %scan3A_13 step %scan3A_14  : i32 {
      %mul3A_28 = arith.constant 40 : i32
      %mul3A_29 = arith.muli %scan3A_27, %mul3A_28 : i32
      %add3A = arith.addi %mul3A_10, %mul3A_29 : i32
      "tpu.region"() ({
        %run_scoped3A = tpu.sem_alloc : memref<!tpu.dma_semaphore, #tpu.memory_space<semaphore_mem>>
        %dma_start3A_45 = arith.constant 0 : i32
        %dma_start3A_46 = tpu.memref_slice %arg3[%arg0, %add3A, %dma_start3A_45] : memref<2x2560x128xi32, #tpu.memory_space<hbm>> -> memref<1x40x128xi32, #tpu.memory_space<hbm>>
        %dma_start3A_47 = tpu.memref_squeeze %dma_start3A_46 : memref<1x40x128xi32, #tpu.memory_space<hbm>> -> memref<40x128xi32, #tpu.memory_space<hbm>>
        %dma_start3A_48 = arith.constant 0 : i32
        %dma_start3A_49 = tpu.memref_slice %arg3[%arg0, %add3A, %dma_start3A_48] : memref<2x2560x128xi32, #tpu.memory_space<hbm>> -> memref<1x40x128xi32, #tpu.memory_space<hbm>>
        %dma_start3A_50 = tpu.memref_squeeze %dma_start3A_49 : memref<1x40x128xi32, #tpu.memory_space<hbm>> -> memref<40x128xi32, #tpu.memory_space<hbm>>
        tpu.enqueue_dma source(%dma_start3A_50 : memref<40x128xi32, #tpu.memory_space<hbm>>) target(%arg6 : memref<40x128xi32, #tpu.memory_space<vmem>>) target_semaphore(%run_scoped3A : memref<!tpu.dma_semaphore, #tpu.memory_space<semaphore_mem>>)
        %dma_wait3A = arith.constant 0 : i32
        %dma_wait3A_51 = tpu.memref_slice %arg3[%arg0, %add3A, %dma_wait3A] : memref<2x2560x128xi32, #tpu.memory_space<hbm>> -> memref<1x40x128xi32, #tpu.memory_space<hbm>>
        %dma_wait3A_52 = tpu.memref_squeeze %dma_wait3A_51 : memref<1x40x128xi32, #tpu.memory_space<hbm>> -> memref<40x128xi32, #tpu.memory_space<hbm>>
        %dma_wait3A_53 = arith.constant 0 : i32
        %dma_wait3A_54 = tpu.memref_slice %arg3[%arg0, %add3A, %dma_wait3A_53] : memref<2x2560x128xi32, #tpu.memory_space<hbm>> -> memref<1x40x128xi32, #tpu.memory_space<hbm>>
        %dma_wait3A_55 = tpu.memref_squeeze %dma_wait3A_54 : memref<1x40x128xi32, #tpu.memory_space<hbm>> -> memref<40x128xi32, #tpu.memory_space<hbm>>
        tpu.wait_dma2 semaphore(%run_scoped3A : memref<!tpu.dma_semaphore, #tpu.memory_space<semaphore_mem>>) src(%dma_wait3A_55 : memref<40x128xi32, #tpu.memory_space<hbm>>) dst(%arg6 : memref<40x128xi32, #tpu.memory_space<vmem>>)
        tpu.yield
      }) : () -> ()
      %mul3A_30 = arith.constant 40 : i32
      %mul3A_31 = arith.muli %scan3A_27, %mul3A_30 : i32
      %add3A_32 = arith.addi %mul3A_10, %mul3A_31 : i32
      "tpu.region"() ({
        %run_scoped3A = tpu.sem_alloc : memref<!tpu.dma_semaphore, #tpu.memory_space<semaphore_mem>>
        %dma_start3A_45 = arith.constant 0 : i32
        %dma_start3A_46 = tpu.memref_slice %arg4[%add3A_32, %dma_start3A_45] : memref<2560x128xi32, #tpu.memory_space<hbm>> -> memref<40x128xi32, #tpu.memory_space<hbm>>
        %dma_start3A_47 = arith.constant 0 : i32
        %dma_start3A_48 = tpu.memref_slice %arg4[%add3A_32, %dma_start3A_47] : memref<2560x128xi32, #tpu.memory_space<hbm>> -> memref<40x128xi32, #tpu.memory_space<hbm>>
        tpu.enqueue_dma source(%dma_start3A_48 : memref<40x128xi32, #tpu.memory_space<hbm>>) target(%arg7 : memref<40x128xi32, #tpu.memory_space<vmem>>) target_semaphore(%run_scoped3A : memref<!tpu.dma_semaphore, #tpu.memory_space<semaphore_mem>>)
        %dma_wait3A = arith.constant 0 : i32
        %dma_wait3A_49 = tpu.memref_slice %arg4[%add3A_32, %dma_wait3A] : memref<2560x128xi32, #tpu.memory_space<hbm>> -> memref<40x128xi32, #tpu.memory_space<hbm>>
        %dma_wait3A_50 = arith.constant 0 : i32
        %dma_wait3A_51 = tpu.memref_slice %arg4[%add3A_32, %dma_wait3A_50] : memref<2560x128xi32, #tpu.memory_space<hbm>> -> memref<40x128xi32, #tpu.memory_space<hbm>>
        tpu.wait_dma2 semaphore(%run_scoped3A : memref<!tpu.dma_semaphore, #tpu.memory_space<semaphore_mem>>) src(%dma_wait3A_51 : memref<40x128xi32, #tpu.memory_space<hbm>>) dst(%arg7 : memref<40x128xi32, #tpu.memory_space<vmem>>)
        tpu.yield
      }) : () -> ()
      %dma_start3A = arith.constant 0 : i32
      %dma_start3A_33 = arith.constant 0 : i32
      %dma_start3A_34 = tpu.memref_slice %arg6[%dma_start3A, %dma_start3A_33] : memref<40x128xi32, #tpu.memory_space<vmem>> -> memref<1x128xi32, #tpu.memory_space<vmem>>
      %dma_start3A_35 = tpu.memref_squeeze %dma_start3A_34 : memref<1x128xi32, #tpu.memory_space<vmem>> -> memref<128xi32, #tpu.memory_space<vmem>>
      %dma_start3A_36 = arith.constant 0 : i32
      %dma_start3A_37 = arith.constant 0 : i32
      %dma_start3A_38 = tpu.memref_slice %arg2[%dma_start3A_36, %dma_start3A_37] : memref<20000x128xf32, #tpu.memory_space<hbm>> -> memref<20000x128xf32, #tpu.memory_space<hbm>>
      tpu.enqueue_indirect_dma source(%dma_start3A_38 : memref<20000x128xf32, #tpu.memory_space<hbm>>) target(%arg8 : memref<128x128xf32, #tpu.memory_space<vmem>>) offsets(%dma_start3A_35 : memref<128xi32, #tpu.memory_space<vmem>>) semaphore(%arg10 : memref<!tpu.dma_semaphore, #tpu.memory_space<semaphore_mem>>)
      %scan3A_39 = arith.constant 0 : i32
      %scan3A_40 = arith.constant 0 : i32
      %scan3A_41 = arith.constant 20 : i32
      %scan3A_42 = arith.addi %scan3A_40, %scan3A_41 : i32
      %scan3A_43 = arith.constant 1 : i32
      scf.for %scan3A_45 = %scan3A_40 to %scan3A_42 step %scan3A_43  : i32 {
        %mul3A_46 = arith.constant 2 : i32
        %mul3A_47 = arith.muli %mul3A_46, %scan3A_45 : i32
        %add3A_48 = arith.constant 1 : i32
        %add3A_49 = arith.addi %mul3A_47, %add3A_48 : i32
        %dma_wait3A = arith.constant 0 : i32
        %dma_wait3A_50 = tpu.memref_slice %arg6[%mul3A_47, %dma_wait3A] : memref<40x128xi32, #tpu.memory_space<vmem>> -> memref<1x128xi32, #tpu.memory_space<vmem>>
        %dma_wait3A_51 = tpu.memref_squeeze %dma_wait3A_50 : memref<1x128xi32, #tpu.memory_space<vmem>> -> memref<128xi32, #tpu.memory_space<vmem>>
        %dma_wait3A_52 = arith.constant 0 : i32
        %dma_wait3A_53 = arith.constant 0 : i32
        %dma_wait3A_54 = tpu.memref_slice %arg2[%dma_wait3A_52, %dma_wait3A_53] : memref<20000x128xf32, #tpu.memory_space<hbm>> -> memref<20000x128xf32, #tpu.memory_space<hbm>>
        tpu.wait_indirect_dma semaphore(%arg10 : memref<!tpu.dma_semaphore, #tpu.memory_space<semaphore_mem>>) src(%dma_wait3A_54 : memref<20000x128xf32, #tpu.memory_space<hbm>>) dst(%arg8 : memref<128x128xf32, #tpu.memory_space<vmem>>)
        %dma_start3A_55 = arith.constant 0 : i32
        %dma_start3A_56 = tpu.memref_slice %arg6[%add3A_49, %dma_start3A_55] : memref<40x128xi32, #tpu.memory_space<vmem>> -> memref<1x128xi32, #tpu.memory_space<vmem>>
        %dma_start3A_57 = tpu.memref_squeeze %dma_start3A_56 : memref<1x128xi32, #tpu.memory_space<vmem>> -> memref<128xi32, #tpu.memory_space<vmem>>
        %dma_start3A_58 = arith.constant 0 : i32
        %dma_start3A_59 = arith.constant 0 : i32
        %dma_start3A_60 = tpu.memref_slice %arg2[%dma_start3A_58, %dma_start3A_59] : memref<20000x128xf32, #tpu.memory_space<hbm>> -> memref<20000x128xf32, #tpu.memory_space<hbm>>
        tpu.enqueue_indirect_dma source(%dma_start3A_60 : memref<20000x128xf32, #tpu.memory_space<hbm>>) target(%arg9 : memref<128x128xf32, #tpu.memory_space<vmem>>) offsets(%dma_start3A_57 : memref<128xi32, #tpu.memory_space<vmem>>) semaphore(%arg11 : memref<!tpu.dma_semaphore, #tpu.memory_space<semaphore_mem>>)
        %dma_start3A_61 = arith.constant 0 : i32
        %dma_start3A_62 = tpu.memref_slice %arg7[%mul3A_47, %dma_start3A_61] : memref<40x128xi32, #tpu.memory_space<vmem>> -> memref<1x128xi32, #tpu.memory_space<vmem>>
        %dma_start3A_63 = tpu.memref_squeeze %dma_start3A_62 : memref<1x128xi32, #tpu.memory_space<vmem>> -> memref<128xi32, #tpu.memory_space<vmem>>
        %dma_start3A_64 = arith.constant 0 : i32
        %dma_start3A_65 = arith.constant 0 : i32
        %dma_start3A_66 = tpu.memref_slice %arg14[%dma_start3A_64, %dma_start3A_65] : memref<10008x128xf32, #tpu.memory_space<vmem_shared>> -> memref<10008x128xf32, #tpu.memory_space<vmem_shared>>
        tpu.enqueue_indirect_dma source(%arg8 : memref<128x128xf32, #tpu.memory_space<vmem>>) target(%dma_start3A_66 : memref<10008x128xf32, #tpu.memory_space<vmem_shared>>) offsets(%dma_start3A_63 : memref<128xi32, #tpu.memory_space<vmem>>) semaphore(%arg12 : memref<!tpu.dma_semaphore, #tpu.memory_space<semaphore_mem>>) {add = true}
        %dma_wait3A_67 = arith.constant 0 : i32
        %dma_wait3A_68 = tpu.memref_slice %arg6[%add3A_49, %dma_wait3A_67] : memref<40x128xi32, #tpu.memory_space<vmem>> -> memref<1x128xi32, #tpu.memory_space<vmem>>
        %dma_wait3A_69 = tpu.memref_squeeze %dma_wait3A_68 : memref<1x128xi32, #tpu.memory_space<vmem>> -> memref<128xi32, #tpu.memory_space<vmem>>
        %dma_wait3A_70 = arith.constant 0 : i32
        %dma_wait3A_71 = arith.constant 0 : i32
        %dma_wait3A_72 = tpu.memref_slice %arg2[%dma_wait3A_70, %dma_wait3A_71] : memref<20000x128xf32, #tpu.memory_space<hbm>> -> memref<20000x128xf32, #tpu.memory_space<hbm>>
        tpu.wait_indirect_dma semaphore(%arg11 : memref<!tpu.dma_semaphore, #tpu.memory_space<semaphore_mem>>) src(%dma_wait3A_72 : memref<20000x128xf32, #tpu.memory_space<hbm>>) dst(%arg9 : memref<128x128xf32, #tpu.memory_space<vmem>>)
        %dma_wait3A_73 = arith.constant 0 : i32
        %dma_wait3A_74 = tpu.memref_slice %arg7[%mul3A_47, %dma_wait3A_73] : memref<40x128xi32, #tpu.memory_space<vmem>> -> memref<1x128xi32, #tpu.memory_space<vmem>>
        %dma_wait3A_75 = tpu.memref_squeeze %dma_wait3A_74 : memref<1x128xi32, #tpu.memory_space<vmem>> -> memref<128xi32, #tpu.memory_space<vmem>>
        %dma_wait3A_76 = arith.constant 0 : i32
        %dma_wait3A_77 = arith.constant 0 : i32
        %dma_wait3A_78 = tpu.memref_slice %arg14[%dma_wait3A_76, %dma_wait3A_77] : memref<10008x128xf32, #tpu.memory_space<vmem_shared>> -> memref<10008x128xf32, #tpu.memory_space<vmem_shared>>
        tpu.wait_indirect_dma semaphore(%arg12 : memref<!tpu.dma_semaphore, #tpu.memory_space<semaphore_mem>>) src(%arg8 : memref<128x128xf32, #tpu.memory_space<vmem>>) dst(%dma_wait3A_78 : memref<10008x128xf32, #tpu.memory_space<vmem_shared>>)
        %lt3A_79 = arith.constant 19 : i32
        %lt3A_80 = arith.cmpi slt, %scan3A_45, %lt3A_79 : i32
        %convert_element_type3A_81 = arith.extui %lt3A_80 : i1 to i32
        %cond3A_82 = arith.constant 0 : i32
        %cond3A_83 = arith.cmpi ne, %convert_element_type3A_81, %cond3A_82 : i32
        scf.if %cond3A_83 {
          %add3A_96 = arith.constant 2 : i32
          %add3A_97 = arith.addi %mul3A_47, %add3A_96 : i32
          %dma_start3A_98 = arith.constant 0 : i32
          %dma_start3A_99 = tpu.memref_slice %arg6[%add3A_97, %dma_start3A_98] : memref<40x128xi32, #tpu.memory_space<vmem>> -> memref<1x128xi32, #tpu.memory_space<vmem>>
          %dma_start3A_100 = tpu.memref_squeeze %dma_start3A_99 : memref<1x128xi32, #tpu.memory_space<vmem>> -> memref<128xi32, #tpu.memory_space<vmem>>
          %dma_start3A_101 = arith.constant 0 : i32
          %dma_start3A_102 = arith.constant 0 : i32
          %dma_start3A_103 = tpu.memref_slice %arg2[%dma_start3A_101, %dma_start3A_102] : memref<20000x128xf32, #tpu.memory_space<hbm>> -> memref<20000x128xf32, #tpu.memory_space<hbm>>
          tpu.enqueue_indirect_dma source(%dma_start3A_103 : memref<20000x128xf32, #tpu.memory_space<hbm>>) target(%arg8 : memref<128x128xf32, #tpu.memory_space<vmem>>) offsets(%dma_start3A_100 : memref<128xi32, #tpu.memory_space<vmem>>) semaphore(%arg10 : memref<!tpu.dma_semaphore, #tpu.memory_space<semaphore_mem>>)
        } else {
        }
        %dma_start3A_84 = arith.constant 0 : i32
        %dma_start3A_85 = tpu.memref_slice %arg7[%add3A_49, %dma_start3A_84] : memref<40x128xi32, #tpu.memory_space<vmem>> -> memref<1x128xi32, #tpu.memory_space<vmem>>
        %dma_start3A_86 = tpu.memref_squeeze %dma_start3A_85 : memref<1x128xi32, #tpu.memory_space<vmem>> -> memref<128xi32, #tpu.memory_space<vmem>>
        %dma_start3A_87 = arith.constant 0 : i32
        %dma_start3A_88 = arith.constant 0 : i32
        %dma_start3A_89 = tpu.memref_slice %arg14[%dma_start3A_87, %dma_start3A_88] : memref<10008x128xf32, #tpu.memory_space<vmem_shared>> -> memref<10008x128xf32, #tpu.memory_space<vmem_shared>>
        tpu.enqueue_indirect_dma source(%arg9 : memref<128x128xf32, #tpu.memory_space<vmem>>) target(%dma_start3A_89 : memref<10008x128xf32, #tpu.memory_space<vmem_shared>>) offsets(%dma_start3A_86 : memref<128xi32, #tpu.memory_space<vmem>>) semaphore(%arg13 : memref<!tpu.dma_semaphore, #tpu.memory_space<semaphore_mem>>) {add = true}
        %dma_wait3A_90 = arith.constant 0 : i32
        %dma_wait3A_91 = tpu.memref_slice %arg7[%add3A_49, %dma_wait3A_90] : memref<40x128xi32, #tpu.memory_space<vmem>> -> memref<1x128xi32, #tpu.memory_space<vmem>>
        %dma_wait3A_92 = tpu.memref_squeeze %dma_wait3A_91 : memref<1x128xi32, #tpu.memory_space<vmem>> -> memref<128xi32, #tpu.memory_space<vmem>>
        %dma_wait3A_93 = arith.constant 0 : i32
        %dma_wait3A_94 = arith.constant 0 : i32
        %dma_wait3A_95 = tpu.memref_slice %arg14[%dma_wait3A_93, %dma_wait3A_94] : memref<10008x128xf32, #tpu.memory_space<vmem_shared>> -> memref<10008x128xf32, #tpu.memory_space<vmem_shared>>
        tpu.wait_indirect_dma semaphore(%arg13 : memref<!tpu.dma_semaphore, #tpu.memory_space<semaphore_mem>>) src(%arg9 : memref<128x128xf32, #tpu.memory_space<vmem>>) dst(%dma_wait3A_95 : memref<10008x128xf32, #tpu.memory_space<vmem_shared>>)
      }
      %scan3A_44 = arith.constant 20 : i32
    }
    %scan3A_15 = arith.constant 4 : i32
    %barrier3A_16 = arith.constant 0 : index
    tpu.barrier barrier_id(%barrier3A_16)
    %lt3A_17 = arith.constant 15 : i32
    %lt3A_18 = arith.cmpi slt, %arg1, %lt3A_17 : i32
    %convert_element_type3A_19 = arith.extui %lt3A_18 : i1 to i32
    %cond3A_20 = arith.constant 0 : i32
    %cond3A_21 = arith.cmpi ne, %convert_element_type3A_19, %cond3A_20 : i32
    scf.if %cond3A_21 {
      %add3A = arith.addi %mul3A_0, %mul3A_2 : i32
      "tpu.region"() ({
        %run_scoped3A = tpu.sem_alloc : memref<!tpu.dma_semaphore, #tpu.memory_space<semaphore_mem>>
        %dma_start3A = arith.constant 0 : i32
        %dma_start3A_27 = tpu.memref_slice %arg5[%add3A, %dma_start3A] : memref<20000x128xf32, #tpu.memory_space<hbm>> -> memref<632x128xf32, #tpu.memory_space<hbm>>
        %dma_start3A_28 = arith.constant 0 : i32
        %dma_start3A_29 = tpu.memref_slice %arg14[%mul3A_2, %dma_start3A_28] : memref<10008x128xf32, #tpu.memory_space<vmem_shared>> -> memref<632x128xf32, #tpu.memory_space<vmem_shared>>
        tpu.enqueue_dma source(%dma_start3A_29 : memref<632x128xf32, #tpu.memory_space<vmem_shared>>) target(%dma_start3A_27 : memref<632x128xf32, #tpu.memory_space<hbm>>) target_semaphore(%run_scoped3A : memref<!tpu.dma_semaphore, #tpu.memory_space<semaphore_mem>>)
        %dma_wait3A = arith.constant 0 : i32
        %dma_wait3A_30 = tpu.memref_slice %arg5[%add3A, %dma_wait3A] : memref<20000x128xf32, #tpu.memory_space<hbm>> -> memref<632x128xf32, #tpu.memory_space<hbm>>
        %dma_wait3A_31 = arith.constant 0 : i32
        %dma_wait3A_32 = tpu.memref_slice %arg14[%mul3A_2, %dma_wait3A_31] : memref<10008x128xf32, #tpu.memory_space<vmem_shared>> -> memref<632x128xf32, #tpu.memory_space<vmem_shared>>
        tpu.wait_dma2 semaphore(%run_scoped3A : memref<!tpu.dma_semaphore, #tpu.memory_space<semaphore_mem>>) src(%dma_wait3A_32 : memref<632x128xf32, #tpu.memory_space<vmem_shared>>) dst(%dma_wait3A_30 : memref<632x128xf32, #tpu.memory_space<hbm>>)
        tpu.yield
      }) : () -> ()
    } else {
    }
    %eq3A_22 = arith.constant 15 : i32
    %eq3A_23 = arith.cmpi eq, %arg1, %eq3A_22 : i32
    %convert_element_type3A_24 = arith.extui %eq3A_23 : i1 to i32
    %cond3A_25 = arith.constant 0 : i32
    %cond3A_26 = arith.cmpi ne, %convert_element_type3A_24, %cond3A_25 : i32
    scf.if %cond3A_26 {
      %add3A = arith.constant 9480 : i32
      %add3A_27 = arith.addi %mul3A_0, %add3A : i32
      "tpu.region"() ({
        %run_scoped3A = tpu.sem_alloc : memref<!tpu.dma_semaphore, #tpu.memory_space<semaphore_mem>>
        %dma_start3A = arith.constant 0 : i32
        %dma_start3A_28 = tpu.memref_slice %arg5[%add3A_27, %dma_start3A] : memref<20000x128xf32, #tpu.memory_space<hbm>> -> memref<520x128xf32, #tpu.memory_space<hbm>>
        %dma_start3A_29 = arith.constant 9480 : i32
        %dma_start3A_30 = arith.constant 0 : i32
        %dma_start3A_31 = tpu.memref_slice %arg14[%dma_start3A_29, %dma_start3A_30] : memref<10008x128xf32, #tpu.memory_space<vmem_shared>> -> memref<520x128xf32, #tpu.memory_space<vmem_shared>>
        tpu.enqueue_dma source(%dma_start3A_31 : memref<520x128xf32, #tpu.memory_space<vmem_shared>>) target(%dma_start3A_28 : memref<520x128xf32, #tpu.memory_space<hbm>>) target_semaphore(%run_scoped3A : memref<!tpu.dma_semaphore, #tpu.memory_space<semaphore_mem>>)
        %dma_wait3A = arith.constant 0 : i32
        %dma_wait3A_32 = tpu.memref_slice %arg5[%add3A_27, %dma_wait3A] : memref<20000x128xf32, #tpu.memory_space<hbm>> -> memref<520x128xf32, #tpu.memory_space<hbm>>
        %dma_wait3A_33 = arith.constant 9480 : i32
        %dma_wait3A_34 = arith.constant 0 : i32
        %dma_wait3A_35 = tpu.memref_slice %arg14[%dma_wait3A_33, %dma_wait3A_34] : memref<10008x128xf32, #tpu.memory_space<vmem_shared>> -> memref<520x128xf32, #tpu.memory_space<vmem_shared>>
        tpu.wait_dma2 semaphore(%run_scoped3A : memref<!tpu.dma_semaphore, #tpu.memory_space<semaphore_mem>>) src(%dma_wait3A_35 : memref<520x128xf32, #tpu.memory_space<vmem_shared>>) dst(%dma_wait3A_32 : memref<520x128xf32, #tpu.memory_space<hbm>>)
        tpu.yield
      }) : () -> ()
    } else {
    }
    return
  }
}

#map = affine_map<(d0, d1) -> (0, 0)>
#map1 = affine_map<(d0, d1) -> (0, 0, 0)>
module attributes {stable_mosaic.version = 14 : i64} {
  func.func @gcn_aggregate_sc(%arg0: i32, %arg1: i32, %arg2: memref<20000x128xf32, #tpu.memory_space<hbm>>, %arg3: memref<2x2560x128xi32, #tpu.memory_space<hbm>>, %arg4: memref<2560x128xi32, #tpu.memory_space<hbm>>, %arg5: memref<20000x128xf32, #tpu.memory_space<hbm>>, %arg6: memref<40x128xi32, #tpu.memory_space<vmem>>, %arg7: memref<40x128xi32, #tpu.memory_space<vmem>>, %arg8: memref<128x128xf32, #tpu.memory_space<vmem>>, %arg9: memref<128x128xf32, #tpu.memory_space<vmem>>, %arg10: memref<!tpu.dma_semaphore, #tpu.memory_space<semaphore_mem>>, %arg11: memref<!tpu.dma_semaphore, #tpu.memory_space<semaphore_mem>>, %arg12: memref<!tpu.dma_semaphore, #tpu.memory_space<semaphore_mem>>, %arg13: memref<!tpu.dma_semaphore, #tpu.memory_space<semaphore_mem>>, %arg14: memref<10008x128xf32, #tpu.memory_space<vmem_shared>>) attributes {dimension_semantics = [#tpu.dimension_semantics<core_parallel>, #tpu.dimension_semantics<subcore_parallel>], iteration_bounds = array<i64: 2, 16>, scalar_prefetch = 0 : i64, scratch_operands = 9 : i64, tpu.core_type = #tpu.core_type<sc_vector_subcore>, window_params = [{transform_indices = #map}, {transform_indices = #map1}, {transform_indices = #map}, {transform_indices = #map}]} {
    %mul3A = arith.constant 10000 : i32
    %mul3A_0 = arith.muli %arg0, %mul3A : i32
    %mul3A_1 = arith.constant 632 : i32
    %mul3A_2 = arith.muli %arg1, %mul3A_1 : i32
    %lt3A = arith.constant 15 : i32
    %lt3A_3 = arith.cmpi slt, %arg1, %lt3A : i32
    %convert_element_type3A = arith.extui %lt3A_3 : i1 to i32
    %cond3A = arith.constant 0 : i32
    %cond3A_4 = arith.cmpi ne, %convert_element_type3A, %cond3A : i32
    scf.if %cond3A_4 {
      %add3A = arith.addi %mul3A_0, %mul3A_2 : i32
      "tpu.region"() ({
        %run_scoped3A = tpu.sem_alloc : memref<!tpu.dma_semaphore, #tpu.memory_space<semaphore_mem>>
        %dma_start3A = arith.constant 0 : i32
        %dma_start3A_27 = tpu.memref_slice %arg14[%mul3A_2, %dma_start3A] : memref<10008x128xf32, #tpu.memory_space<vmem_shared>> -> memref<632x128xf32, #tpu.memory_space<vmem_shared>>
        %dma_start3A_28 = arith.constant 0 : i32
        %dma_start3A_29 = tpu.memref_slice %arg2[%add3A, %dma_start3A_28] : memref<20000x128xf32, #tpu.memory_space<hbm>> -> memref<632x128xf32, #tpu.memory_space<hbm>>
        tpu.enqueue_dma source(%dma_start3A_29 : memref<632x128xf32, #tpu.memory_space<hbm>>) target(%dma_start3A_27 : memref<632x128xf32, #tpu.memory_space<vmem_shared>>) target_semaphore(%run_scoped3A : memref<!tpu.dma_semaphore, #tpu.memory_space<semaphore_mem>>)
        %dma_wait3A = arith.constant 0 : i32
        %dma_wait3A_30 = tpu.memref_slice %arg14[%mul3A_2, %dma_wait3A] : memref<10008x128xf32, #tpu.memory_space<vmem_shared>> -> memref<632x128xf32, #tpu.memory_space<vmem_shared>>
        %dma_wait3A_31 = arith.constant 0 : i32
        %dma_wait3A_32 = tpu.memref_slice %arg2[%add3A, %dma_wait3A_31] : memref<20000x128xf32, #tpu.memory_space<hbm>> -> memref<632x128xf32, #tpu.memory_space<hbm>>
        tpu.wait_dma2 semaphore(%run_scoped3A : memref<!tpu.dma_semaphore, #tpu.memory_space<semaphore_mem>>) src(%dma_wait3A_32 : memref<632x128xf32, #tpu.memory_space<hbm>>) dst(%dma_wait3A_30 : memref<632x128xf32, #tpu.memory_space<vmem_shared>>)
        tpu.yield
      }) : () -> ()
    } else {
    }
    %eq3A = arith.constant 15 : i32
    %eq3A_5 = arith.cmpi eq, %arg1, %eq3A : i32
    %convert_element_type3A_6 = arith.extui %eq3A_5 : i1 to i32
    %cond3A_7 = arith.constant 0 : i32
    %cond3A_8 = arith.cmpi ne, %convert_element_type3A_6, %cond3A_7 : i32
    scf.if %cond3A_8 {
      %add3A = arith.constant 9480 : i32
      %add3A_27 = arith.addi %mul3A_0, %add3A : i32
      "tpu.region"() ({
        %run_scoped3A = tpu.sem_alloc : memref<!tpu.dma_semaphore, #tpu.memory_space<semaphore_mem>>
        %dma_start3A = arith.constant 9480 : i32
        %dma_start3A_28 = arith.constant 0 : i32
        %dma_start3A_29 = tpu.memref_slice %arg14[%dma_start3A, %dma_start3A_28] : memref<10008x128xf32, #tpu.memory_space<vmem_shared>> -> memref<520x128xf32, #tpu.memory_space<vmem_shared>>
        %dma_start3A_30 = arith.constant 0 : i32
        %dma_start3A_31 = tpu.memref_slice %arg2[%add3A_27, %dma_start3A_30] : memref<20000x128xf32, #tpu.memory_space<hbm>> -> memref<520x128xf32, #tpu.memory_space<hbm>>
        tpu.enqueue_dma source(%dma_start3A_31 : memref<520x128xf32, #tpu.memory_space<hbm>>) target(%dma_start3A_29 : memref<520x128xf32, #tpu.memory_space<vmem_shared>>) target_semaphore(%run_scoped3A : memref<!tpu.dma_semaphore, #tpu.memory_space<semaphore_mem>>)
        %dma_wait3A = arith.constant 9480 : i32
        %dma_wait3A_32 = arith.constant 0 : i32
        %dma_wait3A_33 = tpu.memref_slice %arg14[%dma_wait3A, %dma_wait3A_32] : memref<10008x128xf32, #tpu.memory_space<vmem_shared>> -> memref<520x128xf32, #tpu.memory_space<vmem_shared>>
        %dma_wait3A_34 = arith.constant 0 : i32
        %dma_wait3A_35 = tpu.memref_slice %arg2[%add3A_27, %dma_wait3A_34] : memref<20000x128xf32, #tpu.memory_space<hbm>> -> memref<520x128xf32, #tpu.memory_space<hbm>>
        tpu.wait_dma2 semaphore(%run_scoped3A : memref<!tpu.dma_semaphore, #tpu.memory_space<semaphore_mem>>) src(%dma_wait3A_35 : memref<520x128xf32, #tpu.memory_space<hbm>>) dst(%dma_wait3A_33 : memref<520x128xf32, #tpu.memory_space<vmem_shared>>)
        tpu.yield
      }) : () -> ()
    } else {
    }
    %mul3A_9 = arith.constant 160 : i32
    %mul3A_10 = arith.muli %arg1, %mul3A_9 : i32
    %barrier3A = arith.constant 0 : index
    tpu.barrier barrier_id(%barrier3A)
    %scan3A = arith.constant 0 : i32
    %scan3A_11 = arith.constant 0 : i32
    %scan3A_12 = arith.constant 4 : i32
    %scan3A_13 = arith.addi %scan3A_11, %scan3A_12 : i32
    %scan3A_14 = arith.constant 1 : i32
    scf.for %scan3A_27 = %scan3A_11 to %scan3A_13 step %scan3A_14  : i32 {
      %mul3A_28 = arith.constant 40 : i32
      %mul3A_29 = arith.muli %scan3A_27, %mul3A_28 : i32
      %add3A = arith.addi %mul3A_10, %mul3A_29 : i32
      "tpu.region"() ({
        %run_scoped3A = tpu.sem_alloc : memref<!tpu.dma_semaphore, #tpu.memory_space<semaphore_mem>>
        %dma_start3A_45 = arith.constant 0 : i32
        %dma_start3A_46 = tpu.memref_slice %arg3[%arg0, %add3A, %dma_start3A_45] : memref<2x2560x128xi32, #tpu.memory_space<hbm>> -> memref<1x40x128xi32, #tpu.memory_space<hbm>>
        %dma_start3A_47 = tpu.memref_squeeze %dma_start3A_46 : memref<1x40x128xi32, #tpu.memory_space<hbm>> -> memref<40x128xi32, #tpu.memory_space<hbm>>
        %dma_start3A_48 = arith.constant 0 : i32
        %dma_start3A_49 = tpu.memref_slice %arg3[%arg0, %add3A, %dma_start3A_48] : memref<2x2560x128xi32, #tpu.memory_space<hbm>> -> memref<1x40x128xi32, #tpu.memory_space<hbm>>
        %dma_start3A_50 = tpu.memref_squeeze %dma_start3A_49 : memref<1x40x128xi32, #tpu.memory_space<hbm>> -> memref<40x128xi32, #tpu.memory_space<hbm>>
        tpu.enqueue_dma source(%dma_start3A_50 : memref<40x128xi32, #tpu.memory_space<hbm>>) target(%arg6 : memref<40x128xi32, #tpu.memory_space<vmem>>) target_semaphore(%run_scoped3A : memref<!tpu.dma_semaphore, #tpu.memory_space<semaphore_mem>>)
        %dma_wait3A = arith.constant 0 : i32
        %dma_wait3A_51 = tpu.memref_slice %arg3[%arg0, %add3A, %dma_wait3A] : memref<2x2560x128xi32, #tpu.memory_space<hbm>> -> memref<1x40x128xi32, #tpu.memory_space<hbm>>
        %dma_wait3A_52 = tpu.memref_squeeze %dma_wait3A_51 : memref<1x40x128xi32, #tpu.memory_space<hbm>> -> memref<40x128xi32, #tpu.memory_space<hbm>>
        %dma_wait3A_53 = arith.constant 0 : i32
        %dma_wait3A_54 = tpu.memref_slice %arg3[%arg0, %add3A, %dma_wait3A_53] : memref<2x2560x128xi32, #tpu.memory_space<hbm>> -> memref<1x40x128xi32, #tpu.memory_space<hbm>>
        %dma_wait3A_55 = tpu.memref_squeeze %dma_wait3A_54 : memref<1x40x128xi32, #tpu.memory_space<hbm>> -> memref<40x128xi32, #tpu.memory_space<hbm>>
        tpu.wait_dma2 semaphore(%run_scoped3A : memref<!tpu.dma_semaphore, #tpu.memory_space<semaphore_mem>>) src(%dma_wait3A_55 : memref<40x128xi32, #tpu.memory_space<hbm>>) dst(%arg6 : memref<40x128xi32, #tpu.memory_space<vmem>>)
        tpu.yield
      }) : () -> ()
      %mul3A_30 = arith.constant 40 : i32
      %mul3A_31 = arith.muli %scan3A_27, %mul3A_30 : i32
      %add3A_32 = arith.addi %mul3A_10, %mul3A_31 : i32
      "tpu.region"() ({
        %run_scoped3A = tpu.sem_alloc : memref<!tpu.dma_semaphore, #tpu.memory_space<semaphore_mem>>
        %dma_start3A_45 = arith.constant 0 : i32
        %dma_start3A_46 = tpu.memref_slice %arg4[%add3A_32, %dma_start3A_45] : memref<2560x128xi32, #tpu.memory_space<hbm>> -> memref<40x128xi32, #tpu.memory_space<hbm>>
        %dma_start3A_47 = arith.constant 0 : i32
        %dma_start3A_48 = tpu.memref_slice %arg4[%add3A_32, %dma_start3A_47] : memref<2560x128xi32, #tpu.memory_space<hbm>> -> memref<40x128xi32, #tpu.memory_space<hbm>>
        tpu.enqueue_dma source(%dma_start3A_48 : memref<40x128xi32, #tpu.memory_space<hbm>>) target(%arg7 : memref<40x128xi32, #tpu.memory_space<vmem>>) target_semaphore(%run_scoped3A : memref<!tpu.dma_semaphore, #tpu.memory_space<semaphore_mem>>)
        %dma_wait3A = arith.constant 0 : i32
        %dma_wait3A_49 = tpu.memref_slice %arg4[%add3A_32, %dma_wait3A] : memref<2560x128xi32, #tpu.memory_space<hbm>> -> memref<40x128xi32, #tpu.memory_space<hbm>>
        %dma_wait3A_50 = arith.constant 0 : i32
        %dma_wait3A_51 = tpu.memref_slice %arg4[%add3A_32, %dma_wait3A_50] : memref<2560x128xi32, #tpu.memory_space<hbm>> -> memref<40x128xi32, #tpu.memory_space<hbm>>
        tpu.wait_dma2 semaphore(%run_scoped3A : memref<!tpu.dma_semaphore, #tpu.memory_space<semaphore_mem>>) src(%dma_wait3A_51 : memref<40x128xi32, #tpu.memory_space<hbm>>) dst(%arg7 : memref<40x128xi32, #tpu.memory_space<vmem>>)
        tpu.yield
      }) : () -> ()
      %dma_start3A = arith.constant 0 : i32
      %dma_start3A_33 = arith.constant 0 : i32
      %dma_start3A_34 = tpu.memref_slice %arg6[%dma_start3A, %dma_start3A_33] : memref<40x128xi32, #tpu.memory_space<vmem>> -> memref<1x128xi32, #tpu.memory_space<vmem>>
      %dma_start3A_35 = tpu.memref_squeeze %dma_start3A_34 : memref<1x128xi32, #tpu.memory_space<vmem>> -> memref<128xi32, #tpu.memory_space<vmem>>
      %dma_start3A_36 = arith.constant 0 : i32
      %dma_start3A_37 = arith.constant 0 : i32
      %dma_start3A_38 = tpu.memref_slice %arg2[%dma_start3A_36, %dma_start3A_37] : memref<20000x128xf32, #tpu.memory_space<hbm>> -> memref<20000x128xf32, #tpu.memory_space<hbm>>
      tpu.enqueue_indirect_dma source(%dma_start3A_38 : memref<20000x128xf32, #tpu.memory_space<hbm>>) target(%arg8 : memref<128x128xf32, #tpu.memory_space<vmem>>) offsets(%dma_start3A_35 : memref<128xi32, #tpu.memory_space<vmem>>) semaphore(%arg10 : memref<!tpu.dma_semaphore, #tpu.memory_space<semaphore_mem>>)
      %scan3A_39 = arith.constant 0 : i32
      %scan3A_40 = arith.constant 0 : i32
      %scan3A_41 = arith.constant 20 : i32
      %scan3A_42 = arith.addi %scan3A_40, %scan3A_41 : i32
      %scan3A_43 = arith.constant 1 : i32
      scf.for %scan3A_45 = %scan3A_40 to %scan3A_42 step %scan3A_43  : i32 {
        %mul3A_46 = arith.constant 2 : i32
        %mul3A_47 = arith.muli %mul3A_46, %scan3A_45 : i32
        %add3A_48 = arith.constant 1 : i32
        %add3A_49 = arith.addi %mul3A_47, %add3A_48 : i32
        %dma_wait3A = arith.constant 0 : i32
        %dma_wait3A_50 = tpu.memref_slice %arg6[%mul3A_47, %dma_wait3A] : memref<40x128xi32, #tpu.memory_space<vmem>> -> memref<1x128xi32, #tpu.memory_space<vmem>>
        %dma_wait3A_51 = tpu.memref_squeeze %dma_wait3A_50 : memref<1x128xi32, #tpu.memory_space<vmem>> -> memref<128xi32, #tpu.memory_space<vmem>>
        %dma_wait3A_52 = arith.constant 0 : i32
        %dma_wait3A_53 = arith.constant 0 : i32
        %dma_wait3A_54 = tpu.memref_slice %arg2[%dma_wait3A_52, %dma_wait3A_53] : memref<20000x128xf32, #tpu.memory_space<hbm>> -> memref<20000x128xf32, #tpu.memory_space<hbm>>
        tpu.wait_indirect_dma semaphore(%arg10 : memref<!tpu.dma_semaphore, #tpu.memory_space<semaphore_mem>>) src(%dma_wait3A_54 : memref<20000x128xf32, #tpu.memory_space<hbm>>) dst(%arg8 : memref<128x128xf32, #tpu.memory_space<vmem>>)
        %dma_start3A_55 = arith.constant 0 : i32
        %dma_start3A_56 = tpu.memref_slice %arg6[%add3A_49, %dma_start3A_55] : memref<40x128xi32, #tpu.memory_space<vmem>> -> memref<1x128xi32, #tpu.memory_space<vmem>>
        %dma_start3A_57 = tpu.memref_squeeze %dma_start3A_56 : memref<1x128xi32, #tpu.memory_space<vmem>> -> memref<128xi32, #tpu.memory_space<vmem>>
        %dma_start3A_58 = arith.constant 0 : i32
        %dma_start3A_59 = arith.constant 0 : i32
        %dma_start3A_60 = tpu.memref_slice %arg2[%dma_start3A_58, %dma_start3A_59] : memref<20000x128xf32, #tpu.memory_space<hbm>> -> memref<20000x128xf32, #tpu.memory_space<hbm>>
        tpu.enqueue_indirect_dma source(%dma_start3A_60 : memref<20000x128xf32, #tpu.memory_space<hbm>>) target(%arg9 : memref<128x128xf32, #tpu.memory_space<vmem>>) offsets(%dma_start3A_57 : memref<128xi32, #tpu.memory_space<vmem>>) semaphore(%arg11 : memref<!tpu.dma_semaphore, #tpu.memory_space<semaphore_mem>>)
        %dma_start3A_61 = arith.constant 0 : i32
        %dma_start3A_62 = tpu.memref_slice %arg7[%mul3A_47, %dma_start3A_61] : memref<40x128xi32, #tpu.memory_space<vmem>> -> memref<1x128xi32, #tpu.memory_space<vmem>>
        %dma_start3A_63 = tpu.memref_squeeze %dma_start3A_62 : memref<1x128xi32, #tpu.memory_space<vmem>> -> memref<128xi32, #tpu.memory_space<vmem>>
        %dma_start3A_64 = arith.constant 0 : i32
        %dma_start3A_65 = arith.constant 0 : i32
        %dma_start3A_66 = tpu.memref_slice %arg14[%dma_start3A_64, %dma_start3A_65] : memref<10008x128xf32, #tpu.memory_space<vmem_shared>> -> memref<10008x128xf32, #tpu.memory_space<vmem_shared>>
        tpu.enqueue_indirect_dma source(%arg8 : memref<128x128xf32, #tpu.memory_space<vmem>>) target(%dma_start3A_66 : memref<10008x128xf32, #tpu.memory_space<vmem_shared>>) offsets(%dma_start3A_63 : memref<128xi32, #tpu.memory_space<vmem>>) semaphore(%arg12 : memref<!tpu.dma_semaphore, #tpu.memory_space<semaphore_mem>>) {add = true}
        %dma_wait3A_67 = arith.constant 0 : i32
        %dma_wait3A_68 = tpu.memref_slice %arg6[%add3A_49, %dma_wait3A_67] : memref<40x128xi32, #tpu.memory_space<vmem>> -> memref<1x128xi32, #tpu.memory_space<vmem>>
        %dma_wait3A_69 = tpu.memref_squeeze %dma_wait3A_68 : memref<1x128xi32, #tpu.memory_space<vmem>> -> memref<128xi32, #tpu.memory_space<vmem>>
        %dma_wait3A_70 = arith.constant 0 : i32
        %dma_wait3A_71 = arith.constant 0 : i32
        %dma_wait3A_72 = tpu.memref_slice %arg2[%dma_wait3A_70, %dma_wait3A_71] : memref<20000x128xf32, #tpu.memory_space<hbm>> -> memref<20000x128xf32, #tpu.memory_space<hbm>>
        tpu.wait_indirect_dma semaphore(%arg11 : memref<!tpu.dma_semaphore, #tpu.memory_space<semaphore_mem>>) src(%dma_wait3A_72 : memref<20000x128xf32, #tpu.memory_space<hbm>>) dst(%arg9 : memref<128x128xf32, #tpu.memory_space<vmem>>)
        %dma_wait3A_73 = arith.constant 0 : i32
        %dma_wait3A_74 = tpu.memref_slice %arg7[%mul3A_47, %dma_wait3A_73] : memref<40x128xi32, #tpu.memory_space<vmem>> -> memref<1x128xi32, #tpu.memory_space<vmem>>
        %dma_wait3A_75 = tpu.memref_squeeze %dma_wait3A_74 : memref<1x128xi32, #tpu.memory_space<vmem>> -> memref<128xi32, #tpu.memory_space<vmem>>
        %dma_wait3A_76 = arith.constant 0 : i32
        %dma_wait3A_77 = arith.constant 0 : i32
        %dma_wait3A_78 = tpu.memref_slice %arg14[%dma_wait3A_76, %dma_wait3A_77] : memref<10008x128xf32, #tpu.memory_space<vmem_shared>> -> memref<10008x128xf32, #tpu.memory_space<vmem_shared>>
        tpu.wait_indirect_dma semaphore(%arg12 : memref<!tpu.dma_semaphore, #tpu.memory_space<semaphore_mem>>) src(%arg8 : memref<128x128xf32, #tpu.memory_space<vmem>>) dst(%dma_wait3A_78 : memref<10008x128xf32, #tpu.memory_space<vmem_shared>>)
        %lt3A_79 = arith.constant 19 : i32
        %lt3A_80 = arith.cmpi slt, %scan3A_45, %lt3A_79 : i32
        %convert_element_type3A_81 = arith.extui %lt3A_80 : i1 to i32
        %cond3A_82 = arith.constant 0 : i32
        %cond3A_83 = arith.cmpi ne, %convert_element_type3A_81, %cond3A_82 : i32
        scf.if %cond3A_83 {
          %add3A_96 = arith.constant 2 : i32
          %add3A_97 = arith.addi %mul3A_47, %add3A_96 : i32
          %dma_start3A_98 = arith.constant 0 : i32
          %dma_start3A_99 = tpu.memref_slice %arg6[%add3A_97, %dma_start3A_98] : memref<40x128xi32, #tpu.memory_space<vmem>> -> memref<1x128xi32, #tpu.memory_space<vmem>>
          %dma_start3A_100 = tpu.memref_squeeze %dma_start3A_99 : memref<1x128xi32, #tpu.memory_space<vmem>> -> memref<128xi32, #tpu.memory_space<vmem>>
          %dma_start3A_101 = arith.constant 0 : i32
          %dma_start3A_102 = arith.constant 0 : i32
          %dma_start3A_103 = tpu.memref_slice %arg2[%dma_start3A_101, %dma_start3A_102] : memref<20000x128xf32, #tpu.memory_space<hbm>> -> memref<20000x128xf32, #tpu.memory_space<hbm>>
          tpu.enqueue_indirect_dma source(%dma_start3A_103 : memref<20000x128xf32, #tpu.memory_space<hbm>>) target(%arg8 : memref<128x128xf32, #tpu.memory_space<vmem>>) offsets(%dma_start3A_100 : memref<128xi32, #tpu.memory_space<vmem>>) semaphore(%arg10 : memref<!tpu.dma_semaphore, #tpu.memory_space<semaphore_mem>>)
        } else {
        }
        %dma_start3A_84 = arith.constant 0 : i32
        %dma_start3A_85 = tpu.memref_slice %arg7[%add3A_49, %dma_start3A_84] : memref<40x128xi32, #tpu.memory_space<vmem>> -> memref<1x128xi32, #tpu.memory_space<vmem>>
        %dma_start3A_86 = tpu.memref_squeeze %dma_start3A_85 : memref<1x128xi32, #tpu.memory_space<vmem>> -> memref<128xi32, #tpu.memory_space<vmem>>
        %dma_start3A_87 = arith.constant 0 : i32
        %dma_start3A_88 = arith.constant 0 : i32
        %dma_start3A_89 = tpu.memref_slice %arg14[%dma_start3A_87, %dma_start3A_88] : memref<10008x128xf32, #tpu.memory_space<vmem_shared>> -> memref<10008x128xf32, #tpu.memory_space<vmem_shared>>
        tpu.enqueue_indirect_dma source(%arg9 : memref<128x128xf32, #tpu.memory_space<vmem>>) target(%dma_start3A_89 : memref<10008x128xf32, #tpu.memory_space<vmem_shared>>) offsets(%dma_start3A_86 : memref<128xi32, #tpu.memory_space<vmem>>) semaphore(%arg13 : memref<!tpu.dma_semaphore, #tpu.memory_space<semaphore_mem>>) {add = true}
        %dma_wait3A_90 = arith.constant 0 : i32
        %dma_wait3A_91 = tpu.memref_slice %arg7[%add3A_49, %dma_wait3A_90] : memref<40x128xi32, #tpu.memory_space<vmem>> -> memref<1x128xi32, #tpu.memory_space<vmem>>
        %dma_wait3A_92 = tpu.memref_squeeze %dma_wait3A_91 : memref<1x128xi32, #tpu.memory_space<vmem>> -> memref<128xi32, #tpu.memory_space<vmem>>
        %dma_wait3A_93 = arith.constant 0 : i32
        %dma_wait3A_94 = arith.constant 0 : i32
        %dma_wait3A_95 = tpu.memref_slice %arg14[%dma_wait3A_93, %dma_wait3A_94] : memref<10008x128xf32, #tpu.memory_space<vmem_shared>> -> memref<10008x128xf32, #tpu.memory_space<vmem_shared>>
        tpu.wait_indirect_dma semaphore(%arg13 : memref<!tpu.dma_semaphore, #tpu.memory_space<semaphore_mem>>) src(%arg9 : memref<128x128xf32, #tpu.memory_space<vmem>>) dst(%dma_wait3A_95 : memref<10008x128xf32, #tpu.memory_space<vmem_shared>>)
      }
      %scan3A_44 = arith.constant 20 : i32
    }
    %scan3A_15 = arith.constant 4 : i32
    %barrier3A_16 = arith.constant 0 : index
    tpu.barrier barrier_id(%barrier3A_16)
    %lt3A_17 = arith.constant 15 : i32
    %lt3A_18 = arith.cmpi slt, %arg1, %lt3A_17 : i32
    %convert_element_type3A_19 = arith.extui %lt3A_18 : i1 to i32
    %cond3A_20 = arith.constant 0 : i32
    %cond3A_21 = arith.cmpi ne, %convert_element_type3A_19, %cond3A_20 : i32
    scf.if %cond3A_21 {
      %add3A = arith.addi %mul3A_0, %mul3A_2 : i32
      "tpu.region"() ({
        %run_scoped3A = tpu.sem_alloc : memref<!tpu.dma_semaphore, #tpu.memory_space<semaphore_mem>>
        %dma_start3A = arith.constant 0 : i32
        %dma_start3A_27 = tpu.memref_slice %arg5[%add3A, %dma_start3A] : memref<20000x128xf32, #tpu.memory_space<hbm>> -> memref<632x128xf32, #tpu.memory_space<hbm>>
        %dma_start3A_28 = arith.constant 0 : i32
        %dma_start3A_29 = tpu.memref_slice %arg14[%mul3A_2, %dma_start3A_28] : memref<10008x128xf32, #tpu.memory_space<vmem_shared>> -> memref<632x128xf32, #tpu.memory_space<vmem_shared>>
        tpu.enqueue_dma source(%dma_start3A_29 : memref<632x128xf32, #tpu.memory_space<vmem_shared>>) target(%dma_start3A_27 : memref<632x128xf32, #tpu.memory_space<hbm>>) target_semaphore(%run_scoped3A : memref<!tpu.dma_semaphore, #tpu.memory_space<semaphore_mem>>)
        %dma_wait3A = arith.constant 0 : i32
        %dma_wait3A_30 = tpu.memref_slice %arg5[%add3A, %dma_wait3A] : memref<20000x128xf32, #tpu.memory_space<hbm>> -> memref<632x128xf32, #tpu.memory_space<hbm>>
        %dma_wait3A_31 = arith.constant 0 : i32
        %dma_wait3A_32 = tpu.memref_slice %arg14[%mul3A_2, %dma_wait3A_31] : memref<10008x128xf32, #tpu.memory_space<vmem_shared>> -> memref<632x128xf32, #tpu.memory_space<vmem_shared>>
        tpu.wait_dma2 semaphore(%run_scoped3A : memref<!tpu.dma_semaphore, #tpu.memory_space<semaphore_mem>>) src(%dma_wait3A_32 : memref<632x128xf32, #tpu.memory_space<vmem_shared>>) dst(%dma_wait3A_30 : memref<632x128xf32, #tpu.memory_space<hbm>>)
        tpu.yield
      }) : () -> ()
    } else {
    }
    %eq3A_22 = arith.constant 15 : i32
    %eq3A_23 = arith.cmpi eq, %arg1, %eq3A_22 : i32
    %convert_element_type3A_24 = arith.extui %eq3A_23 : i1 to i32
    %cond3A_25 = arith.constant 0 : i32
    %cond3A_26 = arith.cmpi ne, %convert_element_type3A_24, %cond3A_25 : i32
    scf.if %cond3A_26 {
      %add3A = arith.constant 9480 : i32
      %add3A_27 = arith.addi %mul3A_0, %add3A : i32
      "tpu.region"() ({
        %run_scoped3A = tpu.sem_alloc : memref<!tpu.dma_semaphore, #tpu.memory_space<semaphore_mem>>
        %dma_start3A = arith.constant 0 : i32
        %dma_start3A_28 = tpu.memref_slice %arg5[%add3A_27, %dma_start3A] : memref<20000x128xf32, #tpu.memory_space<hbm>> -> memref<520x128xf32, #tpu.memory_space<hbm>>
        %dma_start3A_29 = arith.constant 9480 : i32
        %dma_start3A_30 = arith.constant 0 : i32
        %dma_start3A_31 = tpu.memref_slice %arg14[%dma_start3A_29, %dma_start3A_30] : memref<10008x128xf32, #tpu.memory_space<vmem_shared>> -> memref<520x128xf32, #tpu.memory_space<vmem_shared>>
        tpu.enqueue_dma source(%dma_start3A_31 : memref<520x128xf32, #tpu.memory_space<vmem_shared>>) target(%dma_start3A_28 : memref<520x128xf32, #tpu.memory_space<hbm>>) target_semaphore(%run_scoped3A : memref<!tpu.dma_semaphore, #tpu.memory_space<semaphore_mem>>)
        %dma_wait3A = arith.constant 0 : i32
        %dma_wait3A_32 = tpu.memref_slice %arg5[%add3A_27, %dma_wait3A] : memref<20000x128xf32, #tpu.memory_space<hbm>> -> memref<520x128xf32, #tpu.memory_space<hbm>>
        %dma_wait3A_33 = arith.constant 9480 : i32
        %dma_wait3A_34 = arith.constant 0 : i32
        %dma_wait3A_35 = tpu.memref_slice %arg14[%dma_wait3A_33, %dma_wait3A_34] : memref<10008x128xf32, #tpu.memory_space<vmem_shared>> -> memref<520x128xf32, #tpu.memory_space<vmem_shared>>
        tpu.wait_dma2 semaphore(%run_scoped3A : memref<!tpu.dma_semaphore, #tpu.memory_space<semaphore_mem>>) src(%dma_wait3A_35 : memref<520x128xf32, #tpu.memory_space<vmem_shared>>) dst(%dma_wait3A_32 : memref<520x128xf32, #tpu.memory_space<hbm>>)
        tpu.yield
      }) : () -> ()
    } else {
    }
    return
  }
}

#map = affine_map<(d0, d1) -> (0, 0)>
module attributes {stable_mosaic.version = 14 : i64} {
  func.func @gcn_degree_sc(%arg0: i32, %arg1: i32, %arg2: memref<2560x128xi32, #tpu.memory_space<hbm>>, %arg3: memref<128x128xf32, #tpu.memory_space<hbm>>, %arg4: memref<10112x128xf32, #tpu.memory_space<hbm>>, %arg5: memref<20224x128xf32, #tpu.memory_space<hbm>>, %arg6: memref<80x128xi32, #tpu.memory_space<vmem>>, %arg7: memref<128x128xf32, #tpu.memory_space<vmem>>, %arg8: memref<10112x128xf32, #tpu.memory_space<vmem_shared>>) attributes {dimension_semantics = [#tpu.dimension_semantics<core_parallel>, #tpu.dimension_semantics<subcore_parallel>], iteration_bounds = array<i64: 2, 16>, scalar_prefetch = 0 : i64, scratch_operands = 3 : i64, tpu.core_type = #tpu.core_type<sc_vector_subcore>, window_params = [{transform_indices = #map}, {transform_indices = #map}, {transform_indices = #map}, {transform_indices = #map}]} {
    %mul3A = arith.constant 16 : i32
    %mul3A_0 = arith.muli %arg0, %mul3A : i32
    %add3A = arith.addi %mul3A_0, %arg1 : i32
    %mul3A_1 = arith.constant 632 : i32
    %mul3A_2 = arith.muli %arg1, %mul3A_1 : i32
    "tpu.region"() ({
      %run_scoped3A = tpu.sem_alloc : memref<!tpu.dma_semaphore, #tpu.memory_space<semaphore_mem>>
      %dma_start3A = arith.constant 0 : i32
      %dma_start3A_14 = tpu.memref_slice %arg8[%mul3A_2, %dma_start3A] : memref<10112x128xf32, #tpu.memory_space<vmem_shared>> -> memref<632x128xf32, #tpu.memory_space<vmem_shared>>
      %dma_start3A_15 = arith.constant 0 : i32
      %dma_start3A_16 = tpu.memref_slice %arg4[%mul3A_2, %dma_start3A_15] : memref<10112x128xf32, #tpu.memory_space<hbm>> -> memref<632x128xf32, #tpu.memory_space<hbm>>
      tpu.enqueue_dma source(%dma_start3A_16 : memref<632x128xf32, #tpu.memory_space<hbm>>) target(%dma_start3A_14 : memref<632x128xf32, #tpu.memory_space<vmem_shared>>) target_semaphore(%run_scoped3A : memref<!tpu.dma_semaphore, #tpu.memory_space<semaphore_mem>>)
      %dma_wait3A = arith.constant 0 : i32
      %dma_wait3A_17 = tpu.memref_slice %arg8[%mul3A_2, %dma_wait3A] : memref<10112x128xf32, #tpu.memory_space<vmem_shared>> -> memref<632x128xf32, #tpu.memory_space<vmem_shared>>
      %dma_wait3A_18 = arith.constant 0 : i32
      %dma_wait3A_19 = tpu.memref_slice %arg4[%mul3A_2, %dma_wait3A_18] : memref<10112x128xf32, #tpu.memory_space<hbm>> -> memref<632x128xf32, #tpu.memory_space<hbm>>
      tpu.wait_dma2 semaphore(%run_scoped3A : memref<!tpu.dma_semaphore, #tpu.memory_space<semaphore_mem>>) src(%dma_wait3A_19 : memref<632x128xf32, #tpu.memory_space<hbm>>) dst(%dma_wait3A_17 : memref<632x128xf32, #tpu.memory_space<vmem_shared>>)
      tpu.yield
    }) : () -> ()
    "tpu.region"() ({
      %run_scoped3A = tpu.sem_alloc : memref<!tpu.dma_semaphore, #tpu.memory_space<semaphore_mem>>
      tpu.enqueue_dma source(%arg3 : memref<128x128xf32, #tpu.memory_space<hbm>>) target(%arg7 : memref<128x128xf32, #tpu.memory_space<vmem>>) target_semaphore(%run_scoped3A : memref<!tpu.dma_semaphore, #tpu.memory_space<semaphore_mem>>)
      tpu.wait_dma2 semaphore(%run_scoped3A : memref<!tpu.dma_semaphore, #tpu.memory_space<semaphore_mem>>) src(%arg3 : memref<128x128xf32, #tpu.memory_space<hbm>>) dst(%arg7 : memref<128x128xf32, #tpu.memory_space<vmem>>)
      tpu.yield
    }) : () -> ()
    %mul3A_3 = arith.constant 80 : i32
    %mul3A_4 = arith.muli %add3A, %mul3A_3 : i32
    "tpu.region"() ({
      %run_scoped3A = tpu.sem_alloc : memref<!tpu.dma_semaphore, #tpu.memory_space<semaphore_mem>>
      %dma_start3A = arith.constant 0 : i32
      %dma_start3A_14 = tpu.memref_slice %arg2[%mul3A_4, %dma_start3A] : memref<2560x128xi32, #tpu.memory_space<hbm>> -> memref<80x128xi32, #tpu.memory_space<hbm>>
      %dma_start3A_15 = arith.constant 0 : i32
      %dma_start3A_16 = tpu.memref_slice %arg2[%mul3A_4, %dma_start3A_15] : memref<2560x128xi32, #tpu.memory_space<hbm>> -> memref<80x128xi32, #tpu.memory_space<hbm>>
      tpu.enqueue_dma source(%dma_start3A_16 : memref<80x128xi32, #tpu.memory_space<hbm>>) target(%arg6 : memref<80x128xi32, #tpu.memory_space<vmem>>) target_semaphore(%run_scoped3A : memref<!tpu.dma_semaphore, #tpu.memory_space<semaphore_mem>>)
      %dma_wait3A = arith.constant 0 : i32
      %dma_wait3A_17 = tpu.memref_slice %arg2[%mul3A_4, %dma_wait3A] : memref<2560x128xi32, #tpu.memory_space<hbm>> -> memref<80x128xi32, #tpu.memory_space<hbm>>
      %dma_wait3A_18 = arith.constant 0 : i32
      %dma_wait3A_19 = tpu.memref_slice %arg2[%mul3A_4, %dma_wait3A_18] : memref<2560x128xi32, #tpu.memory_space<hbm>> -> memref<80x128xi32, #tpu.memory_space<hbm>>
      tpu.wait_dma2 semaphore(%run_scoped3A : memref<!tpu.dma_semaphore, #tpu.memory_space<semaphore_mem>>) src(%dma_wait3A_19 : memref<80x128xi32, #tpu.memory_space<hbm>>) dst(%arg6 : memref<80x128xi32, #tpu.memory_space<vmem>>)
      tpu.yield
    }) : () -> ()
    %barrier3A = arith.constant 0 : index
    tpu.barrier barrier_id(%barrier3A)
    %scan3A = arith.constant 0 : i32
    %scan3A_5 = arith.constant 0 : i32
    %scan3A_6 = arith.constant 80 : i32
    %scan3A_7 = arith.addi %scan3A_5, %scan3A_6 : i32
    %scan3A_8 = arith.constant 1 : i32
    scf.for %scan3A_14 = %scan3A_5 to %scan3A_7 step %scan3A_8  : i32 {
      "tpu.region"() ({
        %run_scoped3A = tpu.sem_alloc : memref<!tpu.dma_semaphore, #tpu.memory_space<semaphore_mem>>
        %dma_start3A = arith.constant 0 : i32
        %dma_start3A_15 = tpu.memref_slice %arg6[%scan3A_14, %dma_start3A] : memref<80x128xi32, #tpu.memory_space<vmem>> -> memref<1x128xi32, #tpu.memory_space<vmem>>
        %dma_start3A_16 = tpu.memref_squeeze %dma_start3A_15 : memref<1x128xi32, #tpu.memory_space<vmem>> -> memref<128xi32, #tpu.memory_space<vmem>>
        %dma_start3A_17 = arith.constant 0 : i32
        %dma_start3A_18 = arith.constant 0 : i32
        %dma_start3A_19 = tpu.memref_slice %arg8[%dma_start3A_17, %dma_start3A_18] : memref<10112x128xf32, #tpu.memory_space<vmem_shared>> -> memref<10112x128xf32, #tpu.memory_space<vmem_shared>>
        tpu.enqueue_indirect_dma source(%arg7 : memref<128x128xf32, #tpu.memory_space<vmem>>) target(%dma_start3A_19 : memref<10112x128xf32, #tpu.memory_space<vmem_shared>>) offsets(%dma_start3A_16 : memref<128xi32, #tpu.memory_space<vmem>>) semaphore(%run_scoped3A : memref<!tpu.dma_semaphore, #tpu.memory_space<semaphore_mem>>) {add = true}
        %dma_wait3A = arith.constant 0 : i32
        %dma_wait3A_20 = tpu.memref_slice %arg6[%scan3A_14, %dma_wait3A] : memref<80x128xi32, #tpu.memory_space<vmem>> -> memref<1x128xi32, #tpu.memory_space<vmem>>
        %dma_wait3A_21 = tpu.memref_squeeze %dma_wait3A_20 : memref<1x128xi32, #tpu.memory_space<vmem>> -> memref<128xi32, #tpu.memory_space<vmem>>
        %dma_wait3A_22 = arith.constant 0 : i32
        %dma_wait3A_23 = arith.constant 0 : i32
        %dma_wait3A_24 = tpu.memref_slice %arg8[%dma_wait3A_22, %dma_wait3A_23] : memref<10112x128xf32, #tpu.memory_space<vmem_shared>> -> memref<10112x128xf32, #tpu.memory_space<vmem_shared>>
        tpu.wait_indirect_dma semaphore(%run_scoped3A : memref<!tpu.dma_semaphore, #tpu.memory_space<semaphore_mem>>) src(%arg7 : memref<128x128xf32, #tpu.memory_space<vmem>>) dst(%dma_wait3A_24 : memref<10112x128xf32, #tpu.memory_space<vmem_shared>>)
        tpu.yield
      }) : () -> ()
    }
    %scan3A_9 = arith.constant 80 : i32
    %barrier3A_10 = arith.constant 0 : index
    tpu.barrier barrier_id(%barrier3A_10)
    %mul3A_11 = arith.constant 10112 : i32
    %mul3A_12 = arith.muli %arg0, %mul3A_11 : i32
    %add3A_13 = arith.addi %mul3A_12, %mul3A_2 : i32
    "tpu.region"() ({
      %run_scoped3A = tpu.sem_alloc : memref<!tpu.dma_semaphore, #tpu.memory_space<semaphore_mem>>
      %dma_start3A = arith.constant 0 : i32
      %dma_start3A_14 = tpu.memref_slice %arg5[%add3A_13, %dma_start3A] : memref<20224x128xf32, #tpu.memory_space<hbm>> -> memref<632x128xf32, #tpu.memory_space<hbm>>
      %dma_start3A_15 = arith.constant 0 : i32
      %dma_start3A_16 = tpu.memref_slice %arg8[%mul3A_2, %dma_start3A_15] : memref<10112x128xf32, #tpu.memory_space<vmem_shared>> -> memref<632x128xf32, #tpu.memory_space<vmem_shared>>
      tpu.enqueue_dma source(%dma_start3A_16 : memref<632x128xf32, #tpu.memory_space<vmem_shared>>) target(%dma_start3A_14 : memref<632x128xf32, #tpu.memory_space<hbm>>) target_semaphore(%run_scoped3A : memref<!tpu.dma_semaphore, #tpu.memory_space<semaphore_mem>>)
      %dma_wait3A = arith.constant 0 : i32
      %dma_wait3A_17 = tpu.memref_slice %arg5[%add3A_13, %dma_wait3A] : memref<20224x128xf32, #tpu.memory_space<hbm>> -> memref<632x128xf32, #tpu.memory_space<hbm>>
      %dma_wait3A_18 = arith.constant 0 : i32
      %dma_wait3A_19 = tpu.memref_slice %arg8[%mul3A_2, %dma_wait3A_18] : memref<10112x128xf32, #tpu.memory_space<vmem_shared>> -> memref<632x128xf32, #tpu.memory_space<vmem_shared>>
      tpu.wait_dma2 semaphore(%run_scoped3A : memref<!tpu.dma_semaphore, #tpu.memory_space<semaphore_mem>>) src(%dma_wait3A_19 : memref<632x128xf32, #tpu.memory_space<vmem_shared>>) dst(%dma_wait3A_17 : memref<632x128xf32, #tpu.memory_space<hbm>>)
      tpu.yield
    }) : () -> ()
    return
  }
}

module attributes {stable_mosaic.version = 14 : i64} {
  func.func @gcn_mm1_tc(%arg0: i32, %arg1: memref<2000x128xf32, #tpu.memory_space<vmem>>, %arg2: memref<128x256xf32, #tpu.memory_space<vmem>>, %arg3: memref<2000x128xf32, #tpu.memory_space<vmem>>, %arg4: memref<2000x128xf32, #tpu.memory_space<vmem>>, %arg5: memref<2x2000x128xf32, #tpu.memory_space<vmem>>) attributes {dimension_semantics = [#tpu.dimension_semantics<arbitrary>], iteration_bounds = array<i64: 5>, scalar_prefetch = 0 : i64, scratch_operands = 0 : i64, tpu.core_type = #tpu.core_type<tc>, window_params = [{transform_indices = @transform_0, window_bounds = array<i64: 2000, 128>}, {pipeline_mode = #tpu.pipeline_mode<synchronous>, transform_indices = @transform_1, window_bounds = array<i64: 128, 256>}, {transform_indices = @transform_2, window_bounds = array<i64: 2000, 128>}, {transform_indices = @transform_3, window_bounds = array<i64: 2000, 128>}, {transform_indices = @transform_4, window_bounds = array<i64: 2, 2000, 128>}]} {
    %get3A = arith.constant 0 : index
    %get3A_0 = arith.constant 0 : index
    %get3A_1 = vector.load %arg3[%get3A, %get3A_0] : memref<2000x128xf32, #tpu.memory_space<vmem>>, vector<2000x1xf32>
    %get3A_2 = arith.constant 0 : index
    %get3A_3 = arith.constant 0 : index
    %get3A_4 = vector.load %arg4[%get3A_2, %get3A_3] : memref<2000x128xf32, #tpu.memory_space<vmem>>, vector<2000x1xf32>
    %add3A = arith.addf %get3A_1, %get3A_4 : vector<2000x1xf32>
    %add3A_5 = arith.constant 1.000000e+00 : f32
    %add3A_6 = vector.broadcast %add3A_5 : f32 to vector<2000x1xf32>
    %add3A_7 = arith.addf %add3A, %add3A_6 : vector<2000x1xf32>
    %rsqrt3A = math.rsqrt %add3A_7 : vector<2000x1xf32>
    %get3A_8 = arith.constant 0 : index
    %get3A_9 = arith.constant 0 : index
    %get3A_10 = vector.load %arg1[%get3A_8, %get3A_9] : memref<2000x128xf32, #tpu.memory_space<vmem>>, vector<2000x128xf32>
    %get3A_11 = arith.constant 0 : index
    %get3A_12 = arith.constant 0 : index
    %get3A_13 = vector.load %arg2[%get3A_11, %get3A_12] : memref<128x256xf32, #tpu.memory_space<vmem>>, vector<128x256xf32>
    %dot_general3A = arith.constant dense<0.000000e+00> : vector<2000x256xf32>
    %dot_general3A_14 = tpu.matmul %get3A_10, %get3A_13, %dot_general3A {dimension_numbers = #tpu.dot_dimension_numbers<[1], [0], [0], [1], [0, 0, 1, 1], [], []>, transpose_lhs_hint = false} : vector<2000x128xf32>, vector<128x256xf32>, vector<2000x256xf32> -> vector<2000x256xf32>
    %mul3A = vector.broadcast %rsqrt3A : vector<2000x1xf32> to vector<2000x256xf32>
    %mul3A_15 = arith.mulf %dot_general3A_14, %mul3A : vector<2000x256xf32>
    %slice3A = vector.extract_strided_slice %mul3A_15 {offsets = [0, 0], sizes = [2000, 128], strides = [1, 1]} : vector<2000x256xf32> to vector<2000x128xf32>
    %swap3A = arith.constant 0 : index
    %swap3A_16 = arith.constant 0 : index
    %swap3A_17 = arith.constant 0 : index
    %swap3A_18 = vector.load %arg5[%swap3A, %swap3A_16, %swap3A_17] : memref<2x2000x128xf32, #tpu.memory_space<vmem>>, vector<1x2000x128xf32>
    %swap3A_19 = vector.shape_cast %swap3A_18 : vector<1x2000x128xf32> to vector<2000x128xf32>
    %swap3A_20 = vector.shape_cast %slice3A : vector<2000x128xf32> to vector<1x2000x128xf32>
    tpu.vector_store %arg5[%swap3A, %swap3A_16, %swap3A_17], %swap3A_20 {strides = array<i32>} : memref<2x2000x128xf32, #tpu.memory_space<vmem>>, vector<1x2000x128xf32>,
    %slice3A_21 = vector.extract_strided_slice %mul3A_15 {offsets = [0, 128], sizes = [2000, 128], strides = [1, 1]} : vector<2000x256xf32> to vector<2000x128xf32>
    %swap3A_22 = arith.constant 1 : index
    %swap3A_23 = arith.constant 0 : index
    %swap3A_24 = arith.constant 0 : index
    %swap3A_25 = vector.load %arg5[%swap3A_22, %swap3A_23, %swap3A_24] : memref<2x2000x128xf32, #tpu.memory_space<vmem>>, vector<1x2000x128xf32>
    %swap3A_26 = vector.shape_cast %swap3A_25 : vector<1x2000x128xf32> to vector<2000x128xf32>
    %swap3A_27 = vector.shape_cast %slice3A_21 : vector<2000x128xf32> to vector<1x2000x128xf32>
    tpu.vector_store %arg5[%swap3A_22, %swap3A_23, %swap3A_24], %swap3A_27 {strides = array<i32>} : memref<2x2000x128xf32, #tpu.memory_space<vmem>>, vector<1x2000x128xf32>,
    return
  }
  func.func @transform_0(%arg0: i32) -> (i32, i32) {
    %c0_i32 = arith.constant 0 : i32
    %c0_i32_0 = arith.constant 0 : i32
    return %arg0, %c0_i32 : i32, i32
  }
  func.func @transform_1(%arg0: i32) -> (i32, i32) {
    %c0_i32 = arith.constant 0 : i32
    %c0_i32_0 = arith.constant 0 : i32
    %c0_i32_1 = arith.constant 0 : i32
    return %c0_i32, %c0_i32_0 : i32, i32
  }
  func.func @transform_2(%arg0: i32) -> (i32, i32) {
    %c0_i32 = arith.constant 0 : i32
    %c0_i32_0 = arith.constant 0 : i32
    return %arg0, %c0_i32 : i32, i32
  }
  func.func @transform_3(%arg0: i32) -> (i32, i32) {
    %c0_i32 = arith.constant 0 : i32
    %c0_i32_0 = arith.constant 0 : i32
    return %arg0, %c0_i32 : i32, i32
  }
  func.func @transform_4(%arg0: i32) -> (i32, i32, i32) {
    %c0_i32 = arith.constant 0 : i32
    %c0_i32_0 = arith.constant 0 : i32
    %c0_i32_1 = arith.constant 0 : i32
    return %c0_i32, %arg0, %c0_i32_0 : i32, i32, i32
  }
}

module attributes {stable_mosaic.version = 14 : i64} {
  func.func @gcn_mm2_tc(%arg0: i32, %arg1: memref<1x2000x128xf32, #tpu.memory_space<vmem>>, %arg2: memref<1x2000x128xf32, #tpu.memory_space<vmem>>, %arg3: memref<2000x128xf32, #tpu.memory_space<vmem>>, %arg4: memref<2000x128xf32, #tpu.memory_space<vmem>>, %arg5: memref<1x256xf32, #tpu.memory_space<vmem>>, %arg6: memref<256x256xf32, #tpu.memory_space<vmem>>, %arg7: memref<2x2000x128xf32, #tpu.memory_space<vmem>>) attributes {dimension_semantics = [#tpu.dimension_semantics<arbitrary>], iteration_bounds = array<i64: 5>, scalar_prefetch = 0 : i64, scratch_operands = 0 : i64, tpu.core_type = #tpu.core_type<tc>, window_params = [{transform_indices = @transform_0, window_bounds = array<i64: 1, 2000, 128>}, {transform_indices = @transform_1, window_bounds = array<i64: 1, 2000, 128>}, {transform_indices = @transform_2, window_bounds = array<i64: 2000, 128>}, {transform_indices = @transform_3, window_bounds = array<i64: 2000, 128>}, {pipeline_mode = #tpu.pipeline_mode<synchronous>, transform_indices = @transform_4, window_bounds = array<i64: 1, 256>}, {pipeline_mode = #tpu.pipeline_mode<synchronous>, transform_indices = @transform_5, window_bounds = array<i64: 256, 256>}, {transform_indices = @transform_6, window_bounds = array<i64: 2, 2000, 128>}]} {
    %get3A = arith.constant 0 : index
    %get3A_0 = arith.constant 0 : index
    %get3A_1 = vector.load %arg3[%get3A, %get3A_0] : memref<2000x128xf32, #tpu.memory_space<vmem>>, vector<2000x1xf32>
    %get3A_2 = arith.constant 0 : index
    %get3A_3 = arith.constant 0 : index
    %get3A_4 = vector.load %arg4[%get3A_2, %get3A_3] : memref<2000x128xf32, #tpu.memory_space<vmem>>, vector<2000x1xf32>
    %add3A = arith.addf %get3A_1, %get3A_4 : vector<2000x1xf32>
    %add3A_5 = arith.constant 1.000000e+00 : f32
    %add3A_6 = vector.broadcast %add3A_5 : f32 to vector<2000x1xf32>
    %add3A_7 = arith.addf %add3A, %add3A_6 : vector<2000x1xf32>
    %rsqrt3A = math.rsqrt %add3A_7 : vector<2000x1xf32>
    %get3A_8 = arith.constant 0 : index
    %get3A_9 = arith.constant 0 : index
    %get3A_10 = arith.constant 0 : index
    %get3A_11 = vector.load %arg1[%get3A_8, %get3A_9, %get3A_10] : memref<1x2000x128xf32, #tpu.memory_space<vmem>>, vector<1x2000x128xf32>
    %get3A_12 = vector.shape_cast %get3A_11 : vector<1x2000x128xf32> to vector<2000x128xf32>
    %get3A_13 = arith.constant 0 : index
    %get3A_14 = arith.constant 0 : index
    %get3A_15 = arith.constant 0 : index
    %get3A_16 = vector.load %arg2[%get3A_13, %get3A_14, %get3A_15] : memref<1x2000x128xf32, #tpu.memory_space<vmem>>, vector<1x2000x128xf32>
    %get3A_17 = vector.shape_cast %get3A_16 : vector<1x2000x128xf32> to vector<2000x128xf32>
    %concatenate3A = tpu.concatenate %get3A_12, %get3A_17 in 1 : vector<2000x128xf32>, vector<2000x128xf32> -> vector<2000x256xf32>
    %mul3A = vector.broadcast %rsqrt3A : vector<2000x1xf32> to vector<2000x256xf32>
    %mul3A_18 = arith.mulf %concatenate3A, %mul3A : vector<2000x256xf32>
    %get3A_19 = arith.constant 0 : index
    %get3A_20 = arith.constant 0 : index
    %get3A_21 = vector.load %arg5[%get3A_19, %get3A_20] : memref<1x256xf32, #tpu.memory_space<vmem>>, vector<1x256xf32>
    %get3A_22 = vector.shape_cast %get3A_21 : vector<1x256xf32> to vector<256xf32>
    %broadcast_in_dim3A = vector.shape_cast %get3A_22 : vector<256xf32> to vector<1x256xf32>
    %add3A_23 = vector.broadcast %broadcast_in_dim3A : vector<1x256xf32> to vector<2000x256xf32>
    %add3A_24 = arith.addf %mul3A_18, %add3A_23 : vector<2000x256xf32>
    %max3A = arith.constant 0.000000e+00 : f32
    %max3A_25 = vector.broadcast %max3A : f32 to vector<2000x256xf32>
    %max3A_26 = arith.maximumf %add3A_24, %max3A_25 : vector<2000x256xf32>
    %get3A_27 = arith.constant 0 : index
    %get3A_28 = arith.constant 0 : index
    %get3A_29 = vector.load %arg6[%get3A_27, %get3A_28] : memref<256x256xf32, #tpu.memory_space<vmem>>, vector<256x256xf32>
    %dot_general3A = arith.constant dense<0.000000e+00> : vector<2000x256xf32>
    %dot_general3A_30 = tpu.matmul %max3A_26, %get3A_29, %dot_general3A {dimension_numbers = #tpu.dot_dimension_numbers<[1], [0], [0], [1], [0, 0, 1, 1], [], []>, transpose_lhs_hint = false} : vector<2000x256xf32>, vector<256x256xf32>, vector<2000x256xf32> -> vector<2000x256xf32>
    %mul3A_31 = vector.broadcast %rsqrt3A : vector<2000x1xf32> to vector<2000x256xf32>
    %mul3A_32 = arith.mulf %dot_general3A_30, %mul3A_31 : vector<2000x256xf32>
    %slice3A = vector.extract_strided_slice %mul3A_32 {offsets = [0, 0], sizes = [2000, 128], strides = [1, 1]} : vector<2000x256xf32> to vector<2000x128xf32>
    %swap3A = arith.constant 0 : index
    %swap3A_33 = arith.constant 0 : index
    %swap3A_34 = arith.constant 0 : index
    %swap3A_35 = vector.load %arg7[%swap3A, %swap3A_33, %swap3A_34] : memref<2x2000x128xf32, #tpu.memory_space<vmem>>, vector<1x2000x128xf32>
    %swap3A_36 = vector.shape_cast %swap3A_35 : vector<1x2000x128xf32> to vector<2000x128xf32>
    %swap3A_37 = vector.shape_cast %slice3A : vector<2000x128xf32> to vector<1x2000x128xf32>
    tpu.vector_store %arg7[%swap3A, %swap3A_33, %swap3A_34], %swap3A_37 {strides = array<i32>} : memref<2x2000x128xf32, #tpu.memory_space<vmem>>, vector<1x2000x128xf32>,
    %slice3A_38 = vector.extract_strided_slice %mul3A_32 {offsets = [0, 128], sizes = [2000, 128], strides = [1, 1]} : vector<2000x256xf32> to vector<2000x128xf32>
    %swap3A_39 = arith.constant 1 : index
    %swap3A_40 = arith.constant 0 : index
    %swap3A_41 = arith.constant 0 : index
    %swap3A_42 = vector.load %arg7[%swap3A_39, %swap3A_40, %swap3A_41] : memref<2x2000x128xf32, #tpu.memory_space<vmem>>, vector<1x2000x128xf32>
    %swap3A_43 = vector.shape_cast %swap3A_42 : vector<1x2000x128xf32> to vector<2000x128xf32>
    %swap3A_44 = vector.shape_cast %slice3A_38 : vector<2000x128xf32> to vector<1x2000x128xf32>
    tpu.vector_store %arg7[%swap3A_39, %swap3A_40, %swap3A_41], %swap3A_44 {strides = array<i32>} : memref<2x2000x128xf32, #tpu.memory_space<vmem>>, vector<1x2000x128xf32>,
    return
  }
  func.func @transform_0(%arg0: i32) -> (i32, i32, i32) {
    %c0_i32 = arith.constant 0 : i32
    %c0_i32_0 = arith.constant 0 : i32
    %c0_i32_1 = arith.constant 0 : i32
    return %c0_i32, %arg0, %c0_i32_0 : i32, i32, i32
  }
  func.func @transform_1(%arg0: i32) -> (i32, i32, i32) {
    %c1_i32 = arith.constant 1 : i32
    %c0_i32 = arith.constant 0 : i32
    %c0_i32_0 = arith.constant 0 : i32
    return %c1_i32, %arg0, %c0_i32 : i32, i32, i32
  }
  func.func @transform_2(%arg0: i32) -> (i32, i32) {
    %c0_i32 = arith.constant 0 : i32
    %c0_i32_0 = arith.constant 0 : i32
    return %arg0, %c0_i32 : i32, i32
  }
  func.func @transform_3(%arg0: i32) -> (i32, i32) {
    %c0_i32 = arith.constant 0 : i32
    %c0_i32_0 = arith.constant 0 : i32
    return %arg0, %c0_i32 : i32, i32
  }
  func.func @transform_4(%arg0: i32) -> (i32, i32) {
    %c0_i32 = arith.constant 0 : i32
    %c0_i32_0 = arith.constant 0 : i32
    %c0_i32_1 = arith.constant 0 : i32
    return %c0_i32, %c0_i32_0 : i32, i32
  }
  func.func @transform_5(%arg0: i32) -> (i32, i32) {
    %c0_i32 = arith.constant 0 : i32
    %c0_i32_0 = arith.constant 0 : i32
    %c0_i32_1 = arith.constant 0 : i32
    return %c0_i32, %c0_i32_0 : i32, i32
  }
  func.func @transform_6(%arg0: i32) -> (i32, i32, i32) {
    %c0_i32 = arith.constant 0 : i32
    %c0_i32_0 = arith.constant 0 : i32
    %c0_i32_1 = arith.constant 0 : i32
    return %c0_i32, %arg0, %c0_i32_0 : i32, i32, i32
  }
}

module attributes {stable_mosaic.version = 14 : i64} {
  func.func @gcn_final_tc(%arg0: i32, %arg1: memref<1x2000x128xf32, #tpu.memory_space<vmem>>, %arg2: memref<1x2000x128xf32, #tpu.memory_space<vmem>>, %arg3: memref<2000x128xf32, #tpu.memory_space<vmem>>, %arg4: memref<2000x128xf32, #tpu.memory_space<vmem>>, %arg5: memref<1x256xf32, #tpu.memory_space<vmem>>, %arg6: memref<2000x256xf32, #tpu.memory_space<vmem>>) attributes {dimension_semantics = [#tpu.dimension_semantics<arbitrary>], iteration_bounds = array<i64: 5>, scalar_prefetch = 0 : i64, scratch_operands = 0 : i64, tpu.core_type = #tpu.core_type<tc>, window_params = [{transform_indices = @transform_0, window_bounds = array<i64: 1, 2000, 128>}, {transform_indices = @transform_1, window_bounds = array<i64: 1, 2000, 128>}, {transform_indices = @transform_2, window_bounds = array<i64: 2000, 128>}, {transform_indices = @transform_3, window_bounds = array<i64: 2000, 128>}, {pipeline_mode = #tpu.pipeline_mode<synchronous>, transform_indices = @transform_4, window_bounds = array<i64: 1, 256>}, {transform_indices = @transform_5, window_bounds = array<i64: 2000, 256>}]} {
    %get3A = arith.constant 0 : index
    %get3A_0 = arith.constant 0 : index
    %get3A_1 = vector.load %arg3[%get3A, %get3A_0] : memref<2000x128xf32, #tpu.memory_space<vmem>>, vector<2000x1xf32>
    %get3A_2 = arith.constant 0 : index
    %get3A_3 = arith.constant 0 : index
    %get3A_4 = vector.load %arg4[%get3A_2, %get3A_3] : memref<2000x128xf32, #tpu.memory_space<vmem>>, vector<2000x1xf32>
    %add3A = arith.addf %get3A_1, %get3A_4 : vector<2000x1xf32>
    %add3A_5 = arith.constant 1.000000e+00 : f32
    %add3A_6 = vector.broadcast %add3A_5 : f32 to vector<2000x1xf32>
    %add3A_7 = arith.addf %add3A, %add3A_6 : vector<2000x1xf32>
    %rsqrt3A = math.rsqrt %add3A_7 : vector<2000x1xf32>
    %get3A_8 = arith.constant 0 : index
    %get3A_9 = arith.constant 0 : index
    %get3A_10 = arith.constant 0 : index
    %get3A_11 = vector.load %arg1[%get3A_8, %get3A_9, %get3A_10] : memref<1x2000x128xf32, #tpu.memory_space<vmem>>, vector<1x2000x128xf32>
    %get3A_12 = vector.shape_cast %get3A_11 : vector<1x2000x128xf32> to vector<2000x128xf32>
    %get3A_13 = arith.constant 0 : index
    %get3A_14 = arith.constant 0 : index
    %get3A_15 = arith.constant 0 : index
    %get3A_16 = vector.load %arg2[%get3A_13, %get3A_14, %get3A_15] : memref<1x2000x128xf32, #tpu.memory_space<vmem>>, vector<1x2000x128xf32>
    %get3A_17 = vector.shape_cast %get3A_16 : vector<1x2000x128xf32> to vector<2000x128xf32>
    %concatenate3A = tpu.concatenate %get3A_12, %get3A_17 in 1 : vector<2000x128xf32>, vector<2000x128xf32> -> vector<2000x256xf32>
    %mul3A = vector.broadcast %rsqrt3A : vector<2000x1xf32> to vector<2000x256xf32>
    %mul3A_18 = arith.mulf %concatenate3A, %mul3A : vector<2000x256xf32>
    %get3A_19 = arith.constant 0 : index
    %get3A_20 = arith.constant 0 : index
    %get3A_21 = vector.load %arg5[%get3A_19, %get3A_20] : memref<1x256xf32, #tpu.memory_space<vmem>>, vector<1x256xf32>
    %get3A_22 = vector.shape_cast %get3A_21 : vector<1x256xf32> to vector<256xf32>
    %broadcast_in_dim3A = vector.shape_cast %get3A_22 : vector<256xf32> to vector<1x256xf32>
    %add3A_23 = vector.broadcast %broadcast_in_dim3A : vector<1x256xf32> to vector<2000x256xf32>
    %add3A_24 = arith.addf %mul3A_18, %add3A_23 : vector<2000x256xf32>
    %swap3A = arith.constant 0 : index
    %swap3A_25 = arith.constant 0 : index
    %swap3A_26 = vector.load %arg6[%swap3A, %swap3A_25] : memref<2000x256xf32, #tpu.memory_space<vmem>>, vector<2000x256xf32>
    tpu.vector_store %arg6[%swap3A, %swap3A_25], %add3A_24 {strides = array<i32>} : memref<2000x256xf32, #tpu.memory_space<vmem>>, vector<2000x256xf32>,
    return
  }
  func.func @transform_0(%arg0: i32) -> (i32, i32, i32) {
    %c0_i32 = arith.constant 0 : i32
    %c0_i32_0 = arith.constant 0 : i32
    %c0_i32_1 = arith.constant 0 : i32
    return %c0_i32, %arg0, %c0_i32_0 : i32, i32, i32
  }
  func.func @transform_1(%arg0: i32) -> (i32, i32, i32) {
    %c1_i32 = arith.constant 1 : i32
    %c0_i32 = arith.constant 0 : i32
    %c0_i32_0 = arith.constant 0 : i32
    return %c1_i32, %arg0, %c0_i32 : i32, i32, i32
  }
  func.func @transform_2(%arg0: i32) -> (i32, i32) {
    %c0_i32 = arith.constant 0 : i32
    %c0_i32_0 = arith.constant 0 : i32
    return %arg0, %c0_i32 : i32, i32
  }
  func.func @transform_3(%arg0: i32) -> (i32, i32) {
    %c0_i32 = arith.constant 0 : i32
    %c0_i32_0 = arith.constant 0 : i32
    return %arg0, %c0_i32 : i32, i32
  }
  func.func @transform_4(%arg0: i32) -> (i32, i32) {
    %c0_i32 = arith.constant 0 : i32
    %c0_i32_0 = arith.constant 0 : i32
    %c0_i32_1 = arith.constant 0 : i32
    return %c0_i32, %c0_i32_0 : i32, i32
  }
  func.func @transform_5(%arg0: i32) -> (i32, i32) {
    %c0_i32 = arith.constant 0 : i32
    %c0_i32_0 = arith.constant 0 : i32
    return %arg0, %c0_i32 : i32, i32
  }
}

</mosaic_0001>

<sc_bundles>
// kernel: gcn_aggregate_sc.4.cloned.1.call-start
scs
__scs_entry_jumppad:
0x0: {  	(pc) =	sbr.rel $0x88, $3  }
0x1: {  	(tag) =	ssettag $0x0;
	lr =	simm.s32 $0x1  }
0x2: {  	[smem:$0x3F9B] =	sst lr;
	_ =	strace $0xD0000000  }
0x3: {  	_ = 	snop  }
0x4: {  	_ = 	snop  }
0x5: {  	_ = 	snop  }
0x6: {  	_ = 	snop  }
0x7: {  	_ = 	snop  }
__scs_overlays_trampoline_lowered:
0x8: {  	[smem:$0x3FAA] =	sst s0  }
0x9: {  	[smem:$0x3FAB] =	sst s1  }
0xa: {  	[smem:$0x3FAC] =	sst s2  }
0xb: {  	[smem:$0x3FAD] =	sst s3  }
0xc: {  	[smem:$0x3FAE] =	sst s4  }
0xd: {  	[smem:$0x3FAF] =	sst s5  }
0xe: {  	[smem:$0x3FB0] =	sst s6  }
0xf: {  	[smem:$0x3FB1] =	sst s7  }
0x10: {  	[smem:$0x3FB2] =	sst s8  }
0x11: {  	[smem:$0x3FB3] =	sst s9;
	s0 =	simm.s32 @!p0 $0x0  }
0x12: {  	s1 =	sld [smem:$0x3F99];
	s0 =	simm.s32 @p0 $0x1  }
0x13: {  	[smem:$0x3FB4] =	sst s0;
	s0 =	simm.s32 @!p1 $0x0  }
0x14: {  	s2 =	sld [smem:$0x3F98];
	s0 =	simm.s32 @p1 $0x1  }
0x15: {  	[smem:$0x3FB5] =	sst s0;
	s0 =	simm.s32 @!p2 $0x0  }
0x16: {  	s3 =	sld [smem:$0x3FDB];
	s0 =	simm.s32 @p2 $0x1  }
0x17: {  	s4 =	simm.s32 $0x1BF5;
	[smem:$0x3FB7] =	sst s0  }
0x18: {  	s0 =	sld [smem:$0x3F9A];
	_ =	swait.ge [sflag:s4], $0x0  }
0x19: {  	s7 =	sld [smem:$0x3F9B]  }
0x1a: {  	s8 =	sadd.s32 $0xFFFFE003, lr  }
0x1b: {  	s9 =	sadd.s32 $0xFFFFFEF7, lr;
	s5 =	simm.s32 $0xFFFFFFFF;
	p2 =	slt.u32 s8, $0xFFFFF086  }
0x1c: {  	p1 =	slt.u32 s9, $0xF7A;
	s5 =	simm.s32 @!p2 $0x0  }
0x1d: {  	s5 =	simm.s32 @p1 $0x1;
	p0 =	seq.s32 s7, s2  }
0x1e: {  	s7 =	smul.u32 @!p0 $0xF7A, s2;
	p2 =	seq.s32 @!p0 s5, $0x0  }
0x1f: {  	s9 =	smul.u32 $0xF7A, s1;
	s8 =	simm.s32 @!p0 $0x1BF5;
	p2 =	por !p2, p0  }
0x20: {  	[sflag:s8] =	ssyncset.s32 @!p0 $0xFFFFF086;
	s6 =	sadd.s32 @!p0 s3, s7;
	s7 =	simm.s32 @!p0 $0x108  }
0x21: {  	s3 =	sadd.s32 s3, s9;
	s6 =	sadd.s32 @!p0 $0x88, s6;
	s7 =	simm.s32 @p2 $0x1082  }
0x22: {  	[simem:s7], [sflag:s8] =	dma.local @!p0 [hbm:s6], $0xF7A  }
0x23: {  	s9 =	sor.u32 $0xD0000000, s2;
	s6 =	simm.s32 $0x108;
	_ =	swait.ge @!p0 [sflag:s8], $0x0  }
0x24: {  	s3 =	sadd.s32 $0x88, s3;
	s6 =	simm.s32 @!p1 $0x1082;
	[sflag:s4] =	ssyncset.s32 $0xFFFFF086  }
0x25: {  	[simem:s6], [sflag:s4] =	dma.local [hbm:s3], $0xF7A  }
0x26: {  	[smem:$0x3F9B] =	sst s1;
	(tag) =	ssettag s2;
	_ =	strace s9  }
0x27: {  	s1 =	sld [smem:$0x3FAB]  }
0x28: {  	s2 =	sld [smem:$0x3FAC]  }
0x29: {  	s4 =	sld [smem:$0x3FAE]  }
0x2a: {  	p0 =	seq.s32 s5, $0x0;
	s5 =	sld [smem:$0x3FAF]  }
0x2b: {  	s6 =	sld [smem:$0x3FB0]  }
0x2c: {  	s7 =	sld [smem:$0x3FB1]  }
0x2d: {  	s3 =	simm.s32 $0x108;
	s8 =	sld [smem:$0x3FB2]  }
0x2e: {  	s3 =	simm.s32 @!p0 $0x1082;
	s9 =	sld [smem:$0x3FB3]  }
0x2f: {  	lr =	sadd.s32 s0, s3;
	s0 =	sld [smem:$0x3FAA]  }
0x30: {  	s3 =	sld [smem:$0x3FAD]  }
0x31: {  	[smem:$0x3FB6] =	sst s10  }
0x32: {  	s10 =	sld [smem:$0x3FB4];
	_ =	sdelay $0x3  }
0x33: {  	p0 =	seq.s32 s10, $0x1;
	s10 =	sld [smem:$0x3FB6];
	_ =	sdelay $0x3  }
0x34: {  	[smem:$0x3FB6] =	sst s10  }
0x35: {  	s10 =	sld [smem:$0x3FB5];
	_ =	sdelay $0x3  }
0x36: {  	p1 =	seq.s32 s10, $0x1;
	s10 =	sld [smem:$0x3FB6];
	_ =	sdelay $0x3  }
0x37: {  	[smem:$0x3FB6] =	sst s10  }
0x38: {  	s10 =	sld [smem:$0x3FB7]  }
0x39: {  	_ = 	snop;
	(pc) =	sbr.ind lr, $3  }
0x3a: {  	_ = 	snop  }
0x3b: {  	_ = 	snop  }
0x3c: {  	p2 =	seq.s32 s10, $0x1;
	s10 =	sld [smem:$0x3FB6]  }
0x3d: {  	_ =	shalt  }
0x3e: {  	_ =	shalt  }
0x3f: {  	_ =	shalt  }
0x40: {  	_ =	shalt  }
0x41: {  	_ =	shalt  }
0x42: {  	_ =	shalt  }
0x43: {  	_ =	shalt  }
0x44: {  	_ =	shalt  }
0x45: {  	_ =	shalt  }
0x46: {  	_ =	shalt  }
0x47: {  	_ =	shalt  }
0x48: {  	_ =	shalt  }
0x49: {  	_ =	shalt  }
0x4a: {  	_ =	shalt  }
0x4b: {  	_ =	shalt  }
0x4c: {  	_ =	shalt  }
0x4d: {  	_ =	shalt  }
0x4e: {  	_ =	shalt  }
0x4f: {  	_ =	shalt  }
0x50: {  	_ =	shalt  }
0x51: {  	_ =	shalt  }
0x52: {  	_ =	shalt  }
0x53: {  	_ =	shalt  }
0x54: {  	_ =	shalt  }
0x55: {  	_ =	shalt  }
0x56: {  	_ =	shalt  }
0x57: {  	_ =	shalt  }
0x58: {  	_ =	shalt  }
0x59: {  	_ =	shalt  }
0x5a: {  	_ =	shalt  }
0x5b: {  	_ =	shalt  }
0x5c: {  	_ =	shalt  }
0x5d: {  	_ =	shalt  }
0x5e: {  	_ =	shalt  }
0x5f: {  	_ =	shalt  }
0x60: {  	_ =	shalt  }
0x61: {  	_ =	shalt  }
0x62: {  	_ =	shalt  }
0x63: {  	_ =	shalt  }
0x64: {  	_ =	shalt  }
0x65: {  	_ =	shalt  }
0x66: {  	_ =	shalt  }
0x67: {  	_ =	shalt  }
0x68: {  	_ =	shalt  }
0x69: {  	_ =	shalt  }
0x6a: {  	_ =	shalt  }
0x6b: {  	_ =	shalt  }
0x6c: {  	_ =	shalt  }
0x6d: {  	_ =	shalt  }
0x6e: {  	_ =	shalt  }
0x6f: {  	_ =	shalt  }
0x70: {  	_ =	shalt  }
0x71: {  	_ =	shalt  }
0x72: {  	_ =	shalt  }
0x73: {  	_ =	shalt  }
0x74: {  	_ =	shalt  }
0x75: {  	_ =	shalt  }
0x76: {  	_ =	shalt  }
0x77: {  	_ =	shalt  }
0x78: {  	_ =	shalt  }
0x79: {  	_ =	shalt  }
0x7a: {  	_ =	shalt  }
0x7b: {  	_ =	shalt  }
0x7c: {  	_ =	shalt  }
0x7d: {  	_ =	shalt  }
0x7e: {  	_ =	shalt  }
0x7f: {  	_ =	shalt  }
0x80: {  	_ =	shalt  }
0x81: {  	_ =	shalt  }
0x82: {  	_ =	shalt  }
0x83: {  	_ =	shalt  }
0x84: {  	_ =	shalt  }
0x85: {  	_ =	shalt  }
0x86: {  	_ =	shalt  }
0x87: {  	_ =	shalt  }
.Lfunc_end0:
.L_simem_size_0:
called_computation.1_lowered:
.L_overlay_start_0:
0x88: {  	s2 =	sld [smem:$0x3FD9]  }
0x89: {  	s3 =	sld [smem:$0x3FFE];
	_ =	sdelay $0x1  }
0x8a: {  	s1 =	srdreg.scid  }
0x8b: {  	s0 =	sand.u32 $0x1, s1  }
0x8c: {  	s17 =	sshll.u32 s0, $0xA;
	s2 =	sadd.s32 s3, s2  }
0x8d: {  	s2 =	sadd.s32 s2, s17  }
0x8e: {  	[smem:$0x3FC2] =	sst s2  }
0x8f: {  	_ = 	snop  }
0x90: {  	s2 =	sld [smem:$0x3FD0];
	(tm) =	ssettm $0x1  }
0x91: {  	s18 =	sld [smem:$0x3FFB];
	_ =	sdelay $0x3  }
0x92: {  	_ =	strace s18  }
0x93: {  	s3 =	sld [smem:$0x3FFC];
	_ =	sdelay $0x3  }
0x94: {  	_ =	strace s3  }
0x95: {  	s3 =	sld [smem:$0x3FFD];
	_ =	sdelay $0x3  }
0x96: {  	_ =	strace s3  }
0x97: {  	_ =	strace $0x8FFFFFFF  }
0x98: {  	s19 =	sld [smem:$0x3FDB];
	_ =	sdelay $0x1  }
0x99: {  	s4 =	simm.s32 $_scs_section_size  }
0x9a: {  	s5 =	simm.s32 $_size__tile_overlayer_lowered;
	s6 =	simm.s32 $_tile_overlayer_lowered  }
0x9b: {  	s22 =	simm.s32 $0x1BFF;
	s21 =	sshll.u32 s6, $0x1;
	s3 =	sadd.s32 s4, s19  }
0x9c: {  	s7 =	simm.s32 $0x0;
	s20 =	sshll.u32 s5, $0x1;
	s5 =	sadd.s32 s21, s3  }
0x9d: {  	[timem:s7], [sflag:s22] =	dma.local [hbm:s5], s20  }
0x9e: {  	_ =	swait.ge [sflag:s22], s20  }
0x9f: {  	s4 =	ssub.s32 $0x0, s20;
	[sflag:s22] =	ssyncset.done $0x0  }
0xa0: {  	[sflag:s22] =	ssyncadd.s32 s4;
	_ =	sdelay $0x1  }
0xa1: {  	s23 =	simm.s32 $0x1B8B  }
0xa2: {  	_ =	swait.ge [sflag:s23], $0x1  }
0xa3: {  	[sflag:s23] =	ssyncset.done $0x0  }
0xa4: {  	s25 =	simm.s32 $0x1B8E;
	s24 =	sld [smem:$0x3FFE];
	[sflag:s23] =	ssyncadd.s32 $0xFFFFFFFF  }
0xa5: {  	s26 =	simm.s32 $execute0_lowered;
	[smem:$0x3FD2] =	sst s25  }
0xa6: {  	s5 =	sshll.u32 s26, $0x1;
	_ =	strace $0x80000049;
	[dreg:$0x1] =	wrdreg $0xFFFFFFFF  }
0xa7: {  	s28 =	simm.s32 $_size_execute0_lowered;
	s3 =	sadd.s32 s3, s5;
	[dreg:$0x0] =	wrdreg $0x0  }
0xa8: {  	s5 =	sshll.u32 s28, $0x1;
	[dreg:$0x2] =	wrdreg s3  }
0xa9: {  	[dreg:$0x3] =	wrdreg s5  }
0xaa: {  	[dreg:$0x4] =	wrdreg $0xC0  }
0xab: {  	_ =	task [dreg:s7], $0x5FFFF  }
0xac: {  	[dreg:$0x1] =	wrdreg $0xFFFFFFFF  }
0xad: {  	[dreg:$0x0] =	wrdreg $0x60  }
0xae: {  	[dreg:$0x2] =	wrdreg s2  }
0xaf: {  	[dreg:$0x3] =	wrdreg s24  }
0xb0: {  	[dreg:$0x4] =	wrdreg $0xA8000  }
0xb1: {  	[dreg:$0x5] =	wrdreg $0x9  }
0xb2: {  	_ =	task.clear_ibuf [dreg:s7], $0x6FFFF;
	_ =	strace $0x90000049  }
0xb3: {  	s29 =	simm.s32 $0x9;
	_ =	strace $0x8000004B  }
0xb4: {  	_ =	swait.ge [sflag:s29], $0x1  }
0xb5: {  	[sflag:s29] =	ssyncadd.s32 $0xFFFFFFFF  }
0xb6: {  	_ =	strace $0x9000004B  }
0xb7: {  	_ =	sfence  }
0xb8: {  	s30 =	sld [smem:$0x0];
	_ =	sdelay $0x2  }
0xb9: {  	s31 =	sshll.u32 s1, $0xD;
	s1 =	sshrl.u32 s1, $0x2  }
0xba: {  	s3 =	sand.u32 $0x4000, s31;
	s1 =	sadd.s32 s1, s30  }
0xbb: {  	s0 =	sor.u32 s3, s0;
	s1 =	sshll.u32 s1, $0x11  }
0xbc: {  	s0 =	sor.u32 s1, s0  }
0xbd: {  	s0 =	sadd.s32 $0x8F2B, s0  }
0xbe: {  	[sflag:s0] =	ssyncadd.remote.s32 $0x1  }
0xbf: {  	_ =	sfence.sel $0xFFFF  }
0xc0: {  	[dreg:$0x0] =	wrdreg $0xFFFFFFFF;
	(pc) =	sbr.abs _section_cstart, $3  }
0xc1: {  	[dreg:$0x1] =	wrdreg $0xFFFFFFFF  }
0xc2: {  	_ =	task.clear_ibuf [dreg:s7], $0x2FFFF;
	_ =	strace $0x9FFFFFFF  }
0xc3: {  	(tm) =	ssettm $0x7FFFFFFF  }
tec
execute0_lowered:
.L_overlay_start_1:
0x0: {  	(tag) =	ssettag $0x1  }
0x1: {  	s1 =	rddreg [dreg:$0x0]  }
0x2: {  	s7 =	rddreg [dreg:$0x1]  }
0x3: {  	s2 =	rddreg [dreg:$0x2];
	s4 =	simm.s32 $0x0;
	s3 =	srdreg.scid  }
0x4: {  	s0 =	stileid.u32;
	s17 =	simm.s32 $0x5;
	s18 =	simm.s32 $0x1400  }
0x5: {  	s19 =	simm.s32 $0x80;
	s20 =	simm.s32 $0x2800;
	s21 =	simm.s32 $0x1  }
0x6: {  	s22 =	simm.s32 $0x6800;
	s23 =	simm.s32 $0x2;
	s28 =	simm.s32 $0x2700  }
0x7: {  	s29 =	simm.s32 $0x2780;
	[smem:$0x7FF] =	sst s4;
	s9 =	smul.u32 $0x278, s0  }
0x8: {  	s10 =	sand.u32 $0x1, s3;
	s5 =	sadd.s32 $0x5B200, s7;
	s12 =	smul.u32 $0x4F000, s0  }
0x9: {  	s6 =	sadd.s32 $0x1A00, s7;
	s15 =	sadd.s32 $0xBA00, s7;
	s8 =	smul.u32 $0x2710, s10  }
0xa: {  	p0 =	seq.s32 s0, $0xF;
	s11 =	ssub.s32 $0x2, s10;
	s14 =	smul.u32 $0x138800, s10  }
0xb: {  	_ =	strace $0x8000004A;
	s10 =	smul.u32 $0x50000, s10;
	s13 =	sshrl.u32 s11, $0x1  }
0xc: {  	s25 =	sshrl.u32 s12, $0x2;
	s13 =	ssub.s32 s11, s13;
	s24 =	sadd.s32 s9, s8  }
0xd: {  	s30 =	sshrl.u32 s14, $0x3;
	s16 =	sadd.s32 s25, s2;
	s14 =	sadd.s32 $0x128400, s2  }
0xe: {  	s9 =	smul.u32 $0xA0, s0;
	s25 =	simm.s32 $0x4;
	s26 =	sshll.u32 s24, $0x4  }
0xf: {  	s31 =	sadd.s32 $0x25080, s30;
	s13 =	smax.u32 s13, $0x1;
	s14 =	sshrl.u32 @p0 s14, $0x3  }
0x10: {  	s16 =	sshrl.u32 @!p0 s16, $0x3;
	s24 =	simm.s32 $0x3;
	s7 =	sadd.s32 s1, s26  }
0x11: {  	s11 =	sadd.s32 s15, s26;
	s12 =	sadd.s32 s15, s31;
	s15 =	sshll.u32 @!p0 s0, $0x6  }
0x12: {  	s8 =	sadd.s32 s1, s31;
	s26 =	simm.s32 $0x1380;
	s15 =	sor.u32 @!p0 $0x1C05, s15  }
.LBB2_1:
0x13: {  	s30 =	simm.s32 @p0 $0x1FC5  }
0x14: {  	[spmem:s14], [sflag:s30] =	dma.local @p0 [hbm:s8], $0x2080  }
0x15: {  	s30 =	simm.s32 @p0 $0x5  }
0x16: {  	_ =	swait.ge @p0 [sflag:s30], $0x2080  }
0x17: {  	[sflag:s30] =	ssyncset.done @p0 $0x0  }
0x18: {  	[sflag:s30] =	ssyncadd.s32 @p0 $0xFFFFDF80;
	s30 =	simm.s32 @!p0 $0x5  }
0x19: {  	[spmem:s16], [sflag:s15] =	dma.local @!p0 [hbm:s7], $0x2780  }
0x1a: {  	_ =	swait.ge @!p0 [sflag:s30], $0x2780  }
0x1b: {  	[sflag:s30] =	ssyncset.done @!p0 $0x0  }
0x1c: {  	[sflag:s30] =	ssyncadd.s32 @!p0 $0xFFFFD880  }
0x1d: {  	s30 =	simm.s32 $0x0;
	[bflag:$0x0] =	sbarrier.arrive $0xFFFF  }
.LBB2_2:
0x1e: {  	s31 =	smul.u32 $0x28, s30;
	_ =	sdelay $0x1  }
0x1f: {  	s31 =	sadd.s32 s9, s31  }
0x20: {  	s0 =	sshll.u32 s31, $0x7  }
0x21: {  	s0 =	sadd.s32 s10, s0  }
0x22: {  	s0 =	sshrl.u32 s0, $0x3  }
0x23: {  	s3 =	simm.s32 $0x0;
	s0 =	sadd.s32 s5, s0  }
0x24: {  	[tilespmem:s3], [sflag:$0x5] =	stream.linear.gather [hbm4b:s0+s3], $0x1400, $0x38;
	[tilespmem:$0x1E0C0] =	vst v63  }
0x25: {  	_ =	swait.ge [sflag:s17], $0x1400  }
0x26: {  	s0 =	sshll.u32 s31, $0x4;
	[sflag:s17] =	ssyncset.done $0x0  }
0x27: {  	s0 =	sadd.s32 s6, s0;
	[sflag:s17] =	ssyncadd.s32 $0xFFFFEC00  }
0x28: {  	[tilespmem:s18], [sflag:$0x5] =	stream.linear.gather [hbm4b:s0+s3], $0x1400, $0x38;
	[tilespmem:$0x1E0C0] =	vst v63  }
0x29: {  	_ =	swait.ge [sflag:s17], $0x1400  }
0x2a: {  	[sflag:s17] =	ssyncset.done $0x0  }
0x2b: {  	[sflag:s17] =	ssyncadd.s32 $0xFFFFEC00  }
0x2c: {  	[tilespmem:s20], [sflag:$0x1] =	stream.indirect.gather [hbm4b:s1+s19], $0x80, s3, s19, $0xb8;
	[tilespmem:$0x1E0C0] =	vst v63  }
0x2d: {  	_ =	swait.ge [sflag:s21], $0x4000  }
0x2e: {  	[sflag:s21] =	ssyncset.done $0x0  }
0x2f: {  	s3 =	simm.s32 $0x80;
	[sflag:s21] =	ssyncadd.s32 $0xFFFFC000  }
0x30: {  	[tilespmem:s22], [sflag:$0x2] =	stream.indirect.gather [hbm4b:s1+s19], $0x80, s3, s19, $0xb8;
	[tilespmem:$0x1E0C0] =	vst v63  }
0x31: {  	s3 =	simm.s32 $0x1400  }
0x32: {  	[spmem:s2] =	stream.indirect.scatter.add.f32 [tilespmem:s20], [sflag:$0x3], $0x80, s3, s19, $0xb8;
	[tilespmem:$0x1E0C0] =	vst v63  }
0x33: {  	_ =	swait.ge [sflag:s23], $0x4000  }
0x34: {  	[sflag:s23] =	ssyncset.done $0x0  }
0x35: {  	[sflag:s23] =	ssyncadd.s32 $0xFFFFC000  }
0x36: {  	_ =	swait.ge [sflag:s24], $0x4000  }
0x37: {  	[sflag:s24] =	ssyncset.done $0x0  }
0x38: {  	s3 =	simm.s32 $0x100;
	[sflag:s24] =	ssyncadd.s32 $0xFFFFC000  }
0x39: {  	[tilespmem:s20], [sflag:$0x1] =	stream.indirect.gather [hbm4b:s1+s19], $0x80, s3, s19, $0xb8;
	[tilespmem:$0x1E0C0] =	vst v63  }
0x3a: {  	s3 =	simm.s32 $0x1480  }
0x3b: {  	[spmem:s2] =	stream.indirect.scatter.add.f32 [tilespmem:s22], [sflag:$0x4], $0x80, s3, s19, $0xb8;
	[tilespmem:$0x1E0C0] =	vst v63  }
0x3c: {  	_ =	swait.ge [sflag:s25], $0x4000  }
0x3d: {  	s31 =	simm.s32 $0x400;
	[sflag:s25] =	ssyncset.done $0x0  }
.LBB2_3:
0x3e: {  	p1 =	sne.s32 s31, $0x4800  }
0x3f: {  	[sflag:s25] =	ssyncadd.s32 $0xFFFFC000;
	s0 =	smov.u32 s31;
	s31 =	sadd.s32 $0x400, s31  }
0x40: {  	_ = 	snop  }
0x41: {  	_ =	swait.ge [sflag:s21], $0x4000  }
0x42: {  	s0 =	sshra.s32 s0, $0x2;
	[sflag:s21] =	ssyncset.done $0x0  }
0x43: {  	s3 =	sadd.s32 $0x80, s0;
	[sflag:s21] =	ssyncadd.s32 $0xFFFFC000  }
0x44: {  	[tilespmem:s22], [sflag:$0x2] =	stream.indirect.gather [hbm4b:s1+s19], $0x80, s3, s19, $0xb8;
	[tilespmem:$0x1E0C0] =	vst v63  }
0x45: {  	s3 =	sadd.s32 $0x1400, s0  }
0x46: {  	[spmem:s2] =	stream.indirect.scatter.add.f32 [tilespmem:s20], [sflag:$0x3], $0x80, s3, s19, $0xb8;
	[tilespmem:$0x1E0C0] =	vst v63  }
0x47: {  	_ =	swait.ge [sflag:s23], $0x4000  }
0x48: {  	[sflag:s23] =	ssyncset.done $0x0  }
0x49: {  	[sflag:s23] =	ssyncadd.s32 $0xFFFFC000  }
0x4a: {  	_ =	swait.ge [sflag:s24], $0x4000  }
0x4b: {  	[sflag:s24] =	ssyncset.done $0x0  }
0x4c: {  	s3 =	sadd.s32 $0x100, s0;
	[sflag:s24] =	ssyncadd.s32 $0xFFFFC000  }
0x4d: {  	[tilespmem:s20], [sflag:$0x1] =	stream.indirect.gather [hbm4b:s1+s19], $0x80, s3, s19, $0xb8;
	[tilespmem:$0x1E0C0] =	vst v63  }
.Ltmp0:
0x4e: {  	_ = 	snop;
	(pc) =	sbr.rel @p1 .LBB2_3-.Ltmp0, $4  }
0x4f: {  	s0 =	sadd.s32 $0x1480, s0  }
0x50: {  	[spmem:s2] =	stream.indirect.scatter.add.f32 [tilespmem:s22], [sflag:$0x4], $0x80, s0, s19, $0xb8;
	[tilespmem:$0x1E0C0] =	vst v63  }
0x51: {  	_ =	swait.ge [sflag:s25], $0x4000  }
0x52: {  	[sflag:s25] =	ssyncset.done $0x0  }
0x53: {  	[sflag:s25] =	ssyncadd.s32 $0xFFFFC000  }
0x54: {  	_ =	swait.ge [sflag:s21], $0x4000  }
0x55: {  	[sflag:s21] =	ssyncset.done $0x0  }
0x56: {  	[sflag:s21] =	ssyncadd.s32 $0xFFFFC000  }
0x57: {  	[tilespmem:s22], [sflag:$0x2] =	stream.indirect.gather [hbm4b:s1+s19], $0x80, s26, s19, $0xb8;
	[tilespmem:$0x1E0C0] =	vst v63  }
0x58: {  	_ = 	snop  }
0x59: {  	[spmem:s2] =	stream.indirect.scatter.add.f32 [tilespmem:s20], [sflag:$0x3], $0x80, s28, s19, $0xb8;
	[tilespmem:$0x1E0C0] =	vst v63  }
0x5a: {  	_ =	swait.ge [sflag:s23], $0x4000  }
0x5b: {  	[sflag:s23] =	ssyncset.done $0x0  }
0x5c: {  	[sflag:s23] =	ssyncadd.s32 $0xFFFFC000  }
0x5d: {  	s30 =	sadd.s32 $0x1, s30;
	_ =	swait.ge [sflag:s24], $0x4000  }
0x5e: {  	p1 =	sne.s32 s30, $0x4;
	[sflag:s24] =	ssyncset.done $0x0  }
.Ltmp1:
0x5f: {  	[sflag:s24] =	ssyncadd.s32 $0xFFFFC000;
	(pc) =	sbr.rel @p1 .LBB2_2-.Ltmp1, $4  }
0x60: {  	[spmem:s2] =	stream.indirect.scatter.add.f32 [tilespmem:s22], [sflag:$0x4], $0x80, s29, s19, $0xb8;
	[tilespmem:$0x1E0C0] =	vst v63  }
0x61: {  	_ =	swait.ge [sflag:s25], $0x4000  }
0x62: {  	[sflag:s25] =	ssyncset.done $0x0  }
0x63: {  	[sflag:s25] =	ssyncadd.s32 $0xFFFFC000  }
0x64: {  	[bflag:$0x0] =	sbarrier.arrive $0xFFFF;
	s0 =	simm.s32 @p0 $0x1FC5  }
0x65: {  	[hbm:s12], [sflag:s0] =	dma.local @p0 [spmem:s14], $0x2080  }
0x66: {  	s0 =	simm.s32 @p0 $0x5  }
0x67: {  	s4 =	sadd.s32 $0x1, s4;
	_ =	swait.ge @p0 [sflag:s0], $0x2080  }
0x68: {  	p1 =	sne.s32 s4, s13;
	[sflag:s0] =	ssyncset.done @p0 $0x0  }
.Ltmp2:
0x69: {  	[sflag:s0] =	ssyncadd.s32 @p0 $0xFFFFDF80;
	s0 =	simm.s32 @!p0 $0x5;
	(pc) =	sbr.rel @p1 .LBB2_1-.Ltmp2, $4  }
0x6a: {  	[hbm:s11], [sflag:s15] =	dma.local @!p0 [spmem:s16], $0x2780  }
0x6b: {  	_ =	swait.ge @!p0 [sflag:s0], $0x2780  }
0x6c: {  	[sflag:s0] =	ssyncset.done @!p0 $0x0  }
0x6d: {  	[sflag:s0] =	ssyncadd.s32 @!p0 $0xFFFFD880  }
0x6e: {  	_ =	sfence.sel $0x180000  }
0x6f: {  	[bflag:$0x0] =	sbarrier.arrive $0xFFFF  }
0x70: {  	_ =	strace $0x9000004A  }
0x71: {  	s0 =	stileid.u32;
	[bflag:$0x2] =	sbarrier.arrive $0xFFFF  }
0x72: {  	p0 =	sne.s32 s0, $0x0;
	s0 =	rddreg [dreg:$0x3]  }
0x73: {  	s0 =	sadd.s32 @!p0 $0x100000, s0  }
0x74: {  	[sflag:s0] =	ssyncadd.tile.s32 @!p0 $0x1;
	_ =	shalt  }
.Lfunc_end2:
_tile_overlayer_lowered:
.L_overlay_start_2:
0x75: {  	(tag) =	ssettag $0x2  }
0x76: {  	s0 =	rddreg [dreg:$0x0];
	s2 =	stileid.u32  }
0x77: {  	s1 =	rddreg [dreg:$0x1];
	p0 =	sne.s32 s2, $0x0  }
0x78: {  	s3 =	rddreg [dreg:$0x2];
	[bflag:$0x3] =	sbarrier.arrive $0xFFFF;
	s2 =	simm.s32 @!p0 $0x1C05  }
0x79: {  	[timem:s3], [sflag:s2] =	dma.local @!p0 [hbm:s0], s1  }
0x7a: {  	s0 =	simm.s32 @!p0 $0x5  }
0x7b: {  	_ =	swait.ge @!p0 [sflag:s0], s1  }
0x7c: {  	s1 =	ssub.s32 @!p0 $0x0, s1;
	[sflag:s0] =	ssyncset.done @!p0 $0x0  }
0x7d: {  	[sflag:s0] =	ssyncadd.s32 @!p0 s1  }
0x7e: {  	[bflag:$0x3] =	sbarrier.arrive $0xFFFF  }
0x7f: {  	_ =	shalt  }

// kernel: gcn_aggregate_sc.7.cloned.1.call-start
scs
__scs_entry_jumppad:
0x0: {  	(pc) =	sbr.rel $0x88, $3  }
0x1: {  	(tag) =	ssettag $0x0;
	lr =	simm.s32 $0x1  }
0x2: {  	[smem:$0x3F9B] =	sst lr;
	_ =	strace $0xD0000000  }
0x3: {  	_ = 	snop  }
0x4: {  	_ = 	snop  }
0x5: {  	_ = 	snop  }
0x6: {  	_ = 	snop  }
0x7: {  	_ = 	snop  }
__scs_overlays_trampoline_lowered:
0x8: {  	[smem:$0x3FAA] =	sst s0  }
0x9: {  	[smem:$0x3FAB] =	sst s1  }
0xa: {  	[smem:$0x3FAC] =	sst s2  }
0xb: {  	[smem:$0x3FAD] =	sst s3  }
0xc: {  	[smem:$0x3FAE] =	sst s4  }
0xd: {  	[smem:$0x3FAF] =	sst s5  }
0xe: {  	[smem:$0x3FB0] =	sst s6  }
0xf: {  	[smem:$0x3FB1] =	sst s7  }
0x10: {  	[smem:$0x3FB2] =	sst s8  }
0x11: {  	[smem:$0x3FB3] =	sst s9;
	s0 =	simm.s32 @!p0 $0x0  }
0x12: {  	s1 =	sld [smem:$0x3F99];
	s0 =	simm.s32 @p0 $0x1  }
0x13: {  	[smem:$0x3FB4] =	sst s0;
	s0 =	simm.s32 @!p1 $0x0  }
0x14: {  	s2 =	sld [smem:$0x3F98];
	s0 =	simm.s32 @p1 $0x1  }
0x15: {  	[smem:$0x3FB5] =	sst s0;
	s0 =	simm.s32 @!p2 $0x0  }
0x16: {  	s3 =	sld [smem:$0x3FDB];
	s0 =	simm.s32 @p2 $0x1  }
0x17: {  	s4 =	simm.s32 $0x1BF5;
	[smem:$0x3FB7] =	sst s0  }
0x18: {  	s0 =	sld [smem:$0x3F9A];
	_ =	swait.ge [sflag:s4], $0x0  }
0x19: {  	s7 =	sld [smem:$0x3F9B]  }
0x1a: {  	s8 =	sadd.s32 $0xFFFFE003, lr  }
0x1b: {  	s9 =	sadd.s32 $0xFFFFFEF7, lr;
	s5 =	simm.s32 $0xFFFFFFFF;
	p2 =	slt.u32 s8, $0xFFFFF086  }
0x1c: {  	p1 =	slt.u32 s9, $0xF7A;
	s5 =	simm.s32 @!p2 $0x0  }
0x1d: {  	s5 =	simm.s32 @p1 $0x1;
	p0 =	seq.s32 s7, s2  }
0x1e: {  	s7 =	smul.u32 @!p0 $0xF7A, s2;
	p2 =	seq.s32 @!p0 s5, $0x0  }
0x1f: {  	s9 =	smul.u32 $0xF7A, s1;
	s8 =	simm.s32 @!p0 $0x1BF5;
	p2 =	por !p2, p0  }
0x20: {  	[sflag:s8] =	ssyncset.s32 @!p0 $0xFFFFF086;
	s6 =	sadd.s32 @!p0 s3, s7;
	s7 =	simm.s32 @!p0 $0x108  }
0x21: {  	s3 =	sadd.s32 s3, s9;
	s6 =	sadd.s32 @!p0 $0x88, s6;
	s7 =	simm.s32 @p2 $0x1082  }
0x22: {  	[simem:s7], [sflag:s8] =	dma.local @!p0 [hbm:s6], $0xF7A  }
0x23: {  	s9 =	sor.u32 $0xD0000000, s2;
	s6 =	simm.s32 $0x108;
	_ =	swait.ge @!p0 [sflag:s8], $0x0  }
0x24: {  	s3 =	sadd.s32 $0x88, s3;
	s6 =	simm.s32 @!p1 $0x1082;
	[sflag:s4] =	ssyncset.s32 $0xFFFFF086  }
0x25: {  	[simem:s6], [sflag:s4] =	dma.local [hbm:s3], $0xF7A  }
0x26: {  	[smem:$0x3F9B] =	sst s1;
	(tag) =	ssettag s2;
	_ =	strace s9  }
0x27: {  	s1 =	sld [smem:$0x3FAB]  }
0x28: {  	s2 =	sld [smem:$0x3FAC]  }
0x29: {  	s4 =	sld [smem:$0x3FAE]  }
0x2a: {  	p0 =	seq.s32 s5, $0x0;
	s5 =	sld [smem:$0x3FAF]  }
0x2b: {  	s6 =	sld [smem:$0x3FB0]  }
0x2c: {  	s7 =	sld [smem:$0x3FB1]  }
0x2d: {  	s3 =	simm.s32 $0x108;
	s8 =	sld [smem:$0x3FB2]  }
0x2e: {  	s3 =	simm.s32 @!p0 $0x1082;
	s9 =	sld [smem:$0x3FB3]  }
0x2f: {  	lr =	sadd.s32 s0, s3;
	s0 =	sld [smem:$0x3FAA]  }
0x30: {  	s3 =	sld [smem:$0x3FAD]  }
0x31: {  	[smem:$0x3FB6] =	sst s10  }
0x32: {  	s10 =	sld [smem:$0x3FB4];
	_ =	sdelay $0x3  }
0x33: {  	p0 =	seq.s32 s10, $0x1;
	s10 =	sld [smem:$0x3FB6];
	_ =	sdelay $0x3  }
0x34: {  	[smem:$0x3FB6] =	sst s10  }
0x35: {  	s10 =	sld [smem:$0x3FB5];
	_ =	sdelay $0x3  }
0x36: {  	p1 =	seq.s32 s10, $0x1;
	s10 =	sld [smem:$0x3FB6];
	_ =	sdelay $0x3  }
0x37: {  	[smem:$0x3FB6] =	sst s10  }
0x38: {  	s10 =	sld [smem:$0x3FB7]  }
0x39: {  	_ = 	snop;
	(pc) =	sbr.ind lr, $3  }
0x3a: {  	_ = 	snop  }
0x3b: {  	_ = 	snop  }
0x3c: {  	p2 =	seq.s32 s10, $0x1;
	s10 =	sld [smem:$0x3FB6]  }
0x3d: {  	_ =	shalt  }
0x3e: {  	_ =	shalt  }
0x3f: {  	_ =	shalt  }
0x40: {  	_ =	shalt  }
0x41: {  	_ =	shalt  }
0x42: {  	_ =	shalt  }
0x43: {  	_ =	shalt  }
0x44: {  	_ =	shalt  }
0x45: {  	_ =	shalt  }
0x46: {  	_ =	shalt  }
0x47: {  	_ =	shalt  }
0x48: {  	_ =	shalt  }
0x49: {  	_ =	shalt  }
0x4a: {  	_ =	shalt  }
0x4b: {  	_ =	shalt  }
0x4c: {  	_ =	shalt  }
0x4d: {  	_ =	shalt  }
0x4e: {  	_ =	shalt  }
0x4f: {  	_ =	shalt  }
0x50: {  	_ =	shalt  }
0x51: {  	_ =	shalt  }
0x52: {  	_ =	shalt  }
0x53: {  	_ =	shalt  }
0x54: {  	_ =	shalt  }
0x55: {  	_ =	shalt  }
0x56: {  	_ =	shalt  }
0x57: {  	_ =	shalt  }
0x58: {  	_ =	shalt  }
0x59: {  	_ =	shalt  }
0x5a: {  	_ =	shalt  }
0x5b: {  	_ =	shalt  }
0x5c: {  	_ =	shalt  }
0x5d: {  	_ =	shalt  }
0x5e: {  	_ =	shalt  }
0x5f: {  	_ =	shalt  }
0x60: {  	_ =	shalt  }
0x61: {  	_ =	shalt  }
0x62: {  	_ =	shalt  }
0x63: {  	_ =	shalt  }
0x64: {  	_ =	shalt  }
0x65: {  	_ =	shalt  }
0x66: {  	_ =	shalt  }
0x67: {  	_ =	shalt  }
0x68: {  	_ =	shalt  }
0x69: {  	_ =	shalt  }
0x6a: {  	_ =	shalt  }
0x6b: {  	_ =	shalt  }
0x6c: {  	_ =	shalt  }
0x6d: {  	_ =	shalt  }
0x6e: {  	_ =	shalt  }
0x6f: {  	_ =	shalt  }
0x70: {  	_ =	shalt  }
0x71: {  	_ =	shalt  }
0x72: {  	_ =	shalt  }
0x73: {  	_ =	shalt  }
0x74: {  	_ =	shalt  }
0x75: {  	_ =	shalt  }
0x76: {  	_ =	shalt  }
0x77: {  	_ =	shalt  }
0x78: {  	_ =	shalt  }
0x79: {  	_ =	shalt  }
0x7a: {  	_ =	shalt  }
0x7b: {  	_ =	shalt  }
0x7c: {  	_ =	shalt  }
0x7d: {  	_ =	shalt  }
0x7e: {  	_ =	shalt  }
0x7f: {  	_ =	shalt  }
0x80: {  	_ =	shalt  }
0x81: {  	_ =	shalt  }
0x82: {  	_ =	shalt  }
0x83: {  	_ =	shalt  }
0x84: {  	_ =	shalt  }
0x85: {  	_ =	shalt  }
0x86: {  	_ =	shalt  }
0x87: {  	_ =	shalt  }
.Lfunc_end0:
.L_simem_size_0:
called_computation.2_lowered:
.L_overlay_start_0:
0x88: {  	s2 =	sld [smem:$0x3FD9]  }
0x89: {  	s3 =	sld [smem:$0x3FFE];
	_ =	sdelay $0x1  }
0x8a: {  	s1 =	srdreg.scid  }
0x8b: {  	s0 =	sand.u32 $0x1, s1  }
0x8c: {  	s17 =	sshll.u32 s0, $0xA;
	s2 =	sadd.s32 s3, s2  }
0x8d: {  	s2 =	sadd.s32 s2, s17  }
0x8e: {  	[smem:$0x3FC2] =	sst s2  }
0x8f: {  	_ = 	snop  }
0x90: {  	s2 =	sld [smem:$0x3FD0];
	(tm) =	ssettm $0x1  }
0x91: {  	s18 =	sld [smem:$0x3FFB];
	_ =	sdelay $0x3  }
0x92: {  	_ =	strace s18  }
0x93: {  	s3 =	sld [smem:$0x3FFC];
	_ =	sdelay $0x3  }
0x94: {  	_ =	strace s3  }
0x95: {  	s3 =	sld [smem:$0x3FFD];
	_ =	sdelay $0x3  }
0x96: {  	_ =	strace s3  }
0x97: {  	_ =	strace $0x8FFFFFFF  }
0x98: {  	s19 =	sld [smem:$0x3FDB];
	_ =	sdelay $0x1  }
0x99: {  	s4 =	simm.s32 $_scs_section_size  }
0x9a: {  	s5 =	simm.s32 $_size__tile_overlayer_lowered;
	s6 =	simm.s32 $_tile_overlayer_lowered  }
0x9b: {  	s22 =	simm.s32 $0x1BFF;
	s21 =	sshll.u32 s6, $0x1;
	s3 =	sadd.s32 s4, s19  }
0x9c: {  	s7 =	simm.s32 $0x0;
	s20 =	sshll.u32 s5, $0x1;
	s5 =	sadd.s32 s21, s3  }
0x9d: {  	[timem:s7], [sflag:s22] =	dma.local [hbm:s5], s20  }
0x9e: {  	_ =	swait.ge [sflag:s22], s20  }
0x9f: {  	s4 =	ssub.s32 $0x0, s20;
	[sflag:s22] =	ssyncset.done $0x0  }
0xa0: {  	[sflag:s22] =	ssyncadd.s32 s4;
	_ =	sdelay $0x1  }
0xa1: {  	s23 =	simm.s32 $0x1B8B  }
0xa2: {  	_ =	swait.ge [sflag:s23], $0x1  }
0xa3: {  	[sflag:s23] =	ssyncset.done $0x0  }
0xa4: {  	s25 =	simm.s32 $0x1B8E;
	s24 =	sld [smem:$0x3FFE];
	[sflag:s23] =	ssyncadd.s32 $0xFFFFFFFF  }
0xa5: {  	s26 =	simm.s32 $execute0_lowered;
	[smem:$0x3FD2] =	sst s25  }
0xa6: {  	s5 =	sshll.u32 s26, $0x1;
	_ =	strace $0x8000004C;
	[dreg:$0x1] =	wrdreg $0xFFFFFFFF  }
0xa7: {  	s28 =	simm.s32 $_size_execute0_lowered;
	s3 =	sadd.s32 s3, s5;
	[dreg:$0x0] =	wrdreg $0x0  }
0xa8: {  	s5 =	sshll.u32 s28, $0x1;
	[dreg:$0x2] =	wrdreg s3  }
0xa9: {  	[dreg:$0x3] =	wrdreg s5  }
0xaa: {  	[dreg:$0x4] =	wrdreg $0xC0  }
0xab: {  	_ =	task [dreg:s7], $0x5FFFF  }
0xac: {  	[dreg:$0x1] =	wrdreg $0xFFFFFFFF  }
0xad: {  	[dreg:$0x0] =	wrdreg $0x60  }
0xae: {  	[dreg:$0x2] =	wrdreg s2  }
0xaf: {  	[dreg:$0x3] =	wrdreg s24  }
0xb0: {  	[dreg:$0x4] =	wrdreg $0xA8000  }
0xb1: {  	[dreg:$0x5] =	wrdreg $0x9  }
0xb2: {  	_ =	task.clear_ibuf [dreg:s7], $0x6FFFF;
	_ =	strace $0x9000004C  }
0xb3: {  	s29 =	simm.s32 $0x9;
	_ =	strace $0x8000004E  }
0xb4: {  	_ =	swait.ge [sflag:s29], $0x1  }
0xb5: {  	[sflag:s29] =	ssyncadd.s32 $0xFFFFFFFF  }
0xb6: {  	_ =	strace $0x9000004E  }
0xb7: {  	_ =	sfence  }
0xb8: {  	s30 =	sld [smem:$0x0];
	_ =	sdelay $0x2  }
0xb9: {  	s31 =	sshll.u32 s1, $0xD;
	s1 =	sshrl.u32 s1, $0x2  }
0xba: {  	s3 =	sand.u32 $0x4000, s31;
	s1 =	sadd.s32 s1, s30  }
0xbb: {  	s0 =	sor.u32 s3, s0;
	s1 =	sshll.u32 s1, $0x11  }
0xbc: {  	s0 =	sor.u32 s1, s0  }
0xbd: {  	s0 =	sadd.s32 $0x8F2B, s0  }
0xbe: {  	[sflag:s0] =	ssyncadd.remote.s32 $0x1  }
0xbf: {  	_ =	sfence.sel $0xFFFF  }
0xc0: {  	[dreg:$0x0] =	wrdreg $0xFFFFFFFF;
	(pc) =	sbr.abs _section_cstart, $3  }
0xc1: {  	[dreg:$0x1] =	wrdreg $0xFFFFFFFF  }
0xc2: {  	_ =	task.clear_ibuf [dreg:s7], $0x2FFFF;
	_ =	strace $0x9FFFFFFF  }
0xc3: {  	(tm) =	ssettm $0x7FFFFFFF  }
tec
execute0_lowered:
.L_overlay_start_1:
0x0: {  	(tag) =	ssettag $0x1  }
0x1: {  	s1 =	rddreg [dreg:$0x0]  }
0x2: {  	s7 =	rddreg [dreg:$0x1]  }
0x3: {  	s2 =	rddreg [dreg:$0x2];
	s4 =	simm.s32 $0x0;
	s3 =	srdreg.scid  }
0x4: {  	s0 =	stileid.u32;
	s17 =	simm.s32 $0x5;
	s18 =	simm.s32 $0x1400  }
0x5: {  	s19 =	simm.s32 $0x80;
	s20 =	simm.s32 $0x2800;
	s21 =	simm.s32 $0x1  }
0x6: {  	s22 =	simm.s32 $0x6800;
	s23 =	simm.s32 $0x2;
	s28 =	simm.s32 $0x2700  }
0x7: {  	s29 =	simm.s32 $0x2780;
	[smem:$0x7FF] =	sst s4;
	s9 =	smul.u32 $0x278, s0  }
0x8: {  	s10 =	sand.u32 $0x1, s3;
	s5 =	sadd.s32 $0x5B200, s7;
	s12 =	smul.u32 $0x4F000, s0  }
0x9: {  	s6 =	sadd.s32 $0x1A00, s7;
	s15 =	sadd.s32 $0xBA00, s7;
	s8 =	smul.u32 $0x2710, s10  }
0xa: {  	p0 =	seq.s32 s0, $0xF;
	s11 =	ssub.s32 $0x2, s10;
	s14 =	smul.u32 $0x138800, s10  }
0xb: {  	_ =	strace $0x8000004D;
	s10 =	smul.u32 $0x50000, s10;
	s13 =	sshrl.u32 s11, $0x1  }
0xc: {  	s25 =	sshrl.u32 s12, $0x2;
	s13 =	ssub.s32 s11, s13;
	s24 =	sadd.s32 s9, s8  }
0xd: {  	s30 =	sshrl.u32 s14, $0x3;
	s16 =	sadd.s32 s25, s2;
	s14 =	sadd.s32 $0x128400, s2  }
0xe: {  	s9 =	smul.u32 $0xA0, s0;
	s25 =	simm.s32 $0x4;
	s26 =	sshll.u32 s24, $0x4  }
0xf: {  	s31 =	sadd.s32 $0x25080, s30;
	s13 =	smax.u32 s13, $0x1;
	s14 =	sshrl.u32 @p0 s14, $0x3  }
0x10: {  	s16 =	sshrl.u32 @!p0 s16, $0x3;
	s24 =	simm.s32 $0x3;
	s7 =	sadd.s32 s1, s26  }
0x11: {  	s11 =	sadd.s32 s15, s26;
	s12 =	sadd.s32 s15, s31;
	s15 =	sshll.u32 @!p0 s0, $0x6  }
0x12: {  	s8 =	sadd.s32 s1, s31;
	s26 =	simm.s32 $0x1380;
	s15 =	sor.u32 @!p0 $0x1C05, s15  }
.LBB2_1:
0x13: {  	s30 =	simm.s32 @p0 $0x1FC5  }
0x14: {  	[spmem:s14], [sflag:s30] =	dma.local @p0 [hbm:s8], $0x2080  }
0x15: {  	s30 =	simm.s32 @p0 $0x5  }
0x16: {  	_ =	swait.ge @p0 [sflag:s30], $0x2080  }
0x17: {  	[sflag:s30] =	ssyncset.done @p0 $0x0  }
0x18: {  	[sflag:s30] =	ssyncadd.s32 @p0 $0xFFFFDF80;
	s30 =	simm.s32 @!p0 $0x5  }
0x19: {  	[spmem:s16], [sflag:s15] =	dma.local @!p0 [hbm:s7], $0x2780  }
0x1a: {  	_ =	swait.ge @!p0 [sflag:s30], $0x2780  }
0x1b: {  	[sflag:s30] =	ssyncset.done @!p0 $0x0  }
0x1c: {  	[sflag:s30] =	ssyncadd.s32 @!p0 $0xFFFFD880  }
0x1d: {  	s30 =	simm.s32 $0x0;
	[bflag:$0x0] =	sbarrier.arrive $0xFFFF  }
.LBB2_2:
0x1e: {  	s31 =	smul.u32 $0x28, s30;
	_ =	sdelay $0x1  }
0x1f: {  	s31 =	sadd.s32 s9, s31  }
0x20: {  	s0 =	sshll.u32 s31, $0x7  }
0x21: {  	s0 =	sadd.s32 s10, s0  }
0x22: {  	s0 =	sshrl.u32 s0, $0x3  }
0x23: {  	s3 =	simm.s32 $0x0;
	s0 =	sadd.s32 s5, s0  }
0x24: {  	[tilespmem:s3], [sflag:$0x5] =	stream.linear.gather [hbm4b:s0+s3], $0x1400, $0x38;
	[tilespmem:$0x1E0C0] =	vst v63  }
0x25: {  	_ =	swait.ge [sflag:s17], $0x1400  }
0x26: {  	s0 =	sshll.u32 s31, $0x4;
	[sflag:s17] =	ssyncset.done $0x0  }
0x27: {  	s0 =	sadd.s32 s6, s0;
	[sflag:s17] =	ssyncadd.s32 $0xFFFFEC00  }
0x28: {  	[tilespmem:s18], [sflag:$0x5] =	stream.linear.gather [hbm4b:s0+s3], $0x1400, $0x38;
	[tilespmem:$0x1E0C0] =	vst v63  }
0x29: {  	_ =	swait.ge [sflag:s17], $0x1400  }
0x2a: {  	[sflag:s17] =	ssyncset.done $0x0  }
0x2b: {  	[sflag:s17] =	ssyncadd.s32 $0xFFFFEC00  }
0x2c: {  	[tilespmem:s20], [sflag:$0x1] =	stream.indirect.gather [hbm4b:s1+s19], $0x80, s3, s19, $0xb8;
	[tilespmem:$0x1E0C0] =	vst v63  }
0x2d: {  	_ =	swait.ge [sflag:s21], $0x4000  }
0x2e: {  	[sflag:s21] =	ssyncset.done $0x0  }
0x2f: {  	s3 =	simm.s32 $0x80;
	[sflag:s21] =	ssyncadd.s32 $0xFFFFC000  }
0x30: {  	[tilespmem:s22], [sflag:$0x2] =	stream.indirect.gather [hbm4b:s1+s19], $0x80, s3, s19, $0xb8;
	[tilespmem:$0x1E0C0] =	vst v63  }
0x31: {  	s3 =	simm.s32 $0x1400  }
0x32: {  	[spmem:s2] =	stream.indirect.scatter.add.f32 [tilespmem:s20], [sflag:$0x3], $0x80, s3, s19, $0xb8;
	[tilespmem:$0x1E0C0] =	vst v63  }
0x33: {  	_ =	swait.ge [sflag:s23], $0x4000  }
0x34: {  	[sflag:s23] =	ssyncset.done $0x0  }
0x35: {  	[sflag:s23] =	ssyncadd.s32 $0xFFFFC000  }
0x36: {  	_ =	swait.ge [sflag:s24], $0x4000  }
0x37: {  	[sflag:s24] =	ssyncset.done $0x0  }
0x38: {  	s3 =	simm.s32 $0x100;
	[sflag:s24] =	ssyncadd.s32 $0xFFFFC000  }
0x39: {  	[tilespmem:s20], [sflag:$0x1] =	stream.indirect.gather [hbm4b:s1+s19], $0x80, s3, s19, $0xb8;
	[tilespmem:$0x1E0C0] =	vst v63  }
0x3a: {  	s3 =	simm.s32 $0x1480  }
0x3b: {  	[spmem:s2] =	stream.indirect.scatter.add.f32 [tilespmem:s22], [sflag:$0x4], $0x80, s3, s19, $0xb8;
	[tilespmem:$0x1E0C0] =	vst v63  }
0x3c: {  	_ =	swait.ge [sflag:s25], $0x4000  }
0x3d: {  	s31 =	simm.s32 $0x400;
	[sflag:s25] =	ssyncset.done $0x0  }
.LBB2_3:
0x3e: {  	p1 =	sne.s32 s31, $0x4800  }
0x3f: {  	[sflag:s25] =	ssyncadd.s32 $0xFFFFC000;
	s0 =	smov.u32 s31;
	s31 =	sadd.s32 $0x400, s31  }
0x40: {  	_ = 	snop  }
0x41: {  	_ =	swait.ge [sflag:s21], $0x4000  }
0x42: {  	s0 =	sshra.s32 s0, $0x2;
	[sflag:s21] =	ssyncset.done $0x0  }
0x43: {  	s3 =	sadd.s32 $0x80, s0;
	[sflag:s21] =	ssyncadd.s32 $0xFFFFC000  }
0x44: {  	[tilespmem:s22], [sflag:$0x2] =	stream.indirect.gather [hbm4b:s1+s19], $0x80, s3, s19, $0xb8;
	[tilespmem:$0x1E0C0] =	vst v63  }
0x45: {  	s3 =	sadd.s32 $0x1400, s0  }
0x46: {  	[spmem:s2] =	stream.indirect.scatter.add.f32 [tilespmem:s20], [sflag:$0x3], $0x80, s3, s19, $0xb8;
	[tilespmem:$0x1E0C0] =	vst v63  }
0x47: {  	_ =	swait.ge [sflag:s23], $0x4000  }
0x48: {  	[sflag:s23] =	ssyncset.done $0x0  }
0x49: {  	[sflag:s23] =	ssyncadd.s32 $0xFFFFC000  }
0x4a: {  	_ =	swait.ge [sflag:s24], $0x4000  }
0x4b: {  	[sflag:s24] =	ssyncset.done $0x0  }
0x4c: {  	s3 =	sadd.s32 $0x100, s0;
	[sflag:s24] =	ssyncadd.s32 $0xFFFFC000  }
0x4d: {  	[tilespmem:s20], [sflag:$0x1] =	stream.indirect.gather [hbm4b:s1+s19], $0x80, s3, s19, $0xb8;
	[tilespmem:$0x1E0C0] =	vst v63  }
.Ltmp0:
0x4e: {  	_ = 	snop;
	(pc) =	sbr.rel @p1 .LBB2_3-.Ltmp0, $4  }
0x4f: {  	s0 =	sadd.s32 $0x1480, s0  }
0x50: {  	[spmem:s2] =	stream.indirect.scatter.add.f32 [tilespmem:s22], [sflag:$0x4], $0x80, s0, s19, $0xb8;
	[tilespmem:$0x1E0C0] =	vst v63  }
0x51: {  	_ =	swait.ge [sflag:s25], $0x4000  }
0x52: {  	[sflag:s25] =	ssyncset.done $0x0  }
0x53: {  	[sflag:s25] =	ssyncadd.s32 $0xFFFFC000  }
0x54: {  	_ =	swait.ge [sflag:s21], $0x4000  }
0x55: {  	[sflag:s21] =	ssyncset.done $0x0  }
0x56: {  	[sflag:s21] =	ssyncadd.s32 $0xFFFFC000  }
0x57: {  	[tilespmem:s22], [sflag:$0x2] =	stream.indirect.gather [hbm4b:s1+s19], $0x80, s26, s19, $0xb8;
	[tilespmem:$0x1E0C0] =	vst v63  }
0x58: {  	_ = 	snop  }
0x59: {  	[spmem:s2] =	stream.indirect.scatter.add.f32 [tilespmem:s20], [sflag:$0x3], $0x80, s28, s19, $0xb8;
	[tilespmem:$0x1E0C0] =	vst v63  }
0x5a: {  	_ =	swait.ge [sflag:s23], $0x4000  }
0x5b: {  	[sflag:s23] =	ssyncset.done $0x0  }
0x5c: {  	[sflag:s23] =	ssyncadd.s32 $0xFFFFC000  }
0x5d: {  	s30 =	sadd.s32 $0x1, s30;
	_ =	swait.ge [sflag:s24], $0x4000  }
0x5e: {  	p1 =	sne.s32 s30, $0x4;
	[sflag:s24] =	ssyncset.done $0x0  }
.Ltmp1:
0x5f: {  	[sflag:s24] =	ssyncadd.s32 $0xFFFFC000;
	(pc) =	sbr.rel @p1 .LBB2_2-.Ltmp1, $4  }
0x60: {  	[spmem:s2] =	stream.indirect.scatter.add.f32 [tilespmem:s22], [sflag:$0x4], $0x80, s29, s19, $0xb8;
	[tilespmem:$0x1E0C0] =	vst v63  }
0x61: {  	_ =	swait.ge [sflag:s25], $0x4000  }
0x62: {  	[sflag:s25] =	ssyncset.done $0x0  }
0x63: {  	[sflag:s25] =	ssyncadd.s32 $0xFFFFC000  }
0x64: {  	[bflag:$0x0] =	sbarrier.arrive $0xFFFF;
	s0 =	simm.s32 @p0 $0x1FC5  }
0x65: {  	[hbm:s12], [sflag:s0] =	dma.local @p0 [spmem:s14], $0x2080  }
0x66: {  	s0 =	simm.s32 @p0 $0x5  }
0x67: {  	s4 =	sadd.s32 $0x1, s4;
	_ =	swait.ge @p0 [sflag:s0], $0x2080  }
0x68: {  	p1 =	sne.s32 s4, s13;
	[sflag:s0] =	ssyncset.done @p0 $0x0  }
.Ltmp2:
0x69: {  	[sflag:s0] =	ssyncadd.s32 @p0 $0xFFFFDF80;
	s0 =	simm.s32 @!p0 $0x5;
	(pc) =	sbr.rel @p1 .LBB2_1-.Ltmp2, $4  }
0x6a: {  	[hbm:s11], [sflag:s15] =	dma.local @!p0 [spmem:s16], $0x2780  }
0x6b: {  	_ =	swait.ge @!p0 [sflag:s0], $0x2780  }
0x6c: {  	[sflag:s0] =	ssyncset.done @!p0 $0x0  }
0x6d: {  	[sflag:s0] =	ssyncadd.s32 @!p0 $0xFFFFD880  }
0x6e: {  	_ =	sfence.sel $0x180000  }
0x6f: {  	[bflag:$0x0] =	sbarrier.arrive $0xFFFF  }
0x70: {  	_ =	strace $0x9000004D  }
0x71: {  	s0 =	stileid.u32;
	[bflag:$0x2] =	sbarrier.arrive $0xFFFF  }
0x72: {  	p0 =	sne.s32 s0, $0x0;
	s0 =	rddreg [dreg:$0x3]  }
0x73: {  	s0 =	sadd.s32 @!p0 $0x100000, s0  }
0x74: {  	[sflag:s0] =	ssyncadd.tile.s32 @!p0 $0x1;
	_ =	shalt  }
.Lfunc_end2:
_tile_overlayer_lowered:
.L_overlay_start_2:
0x75: {  	(tag) =	ssettag $0x2  }
0x76: {  	s0 =	rddreg [dreg:$0x0];
	s2 =	stileid.u32  }
0x77: {  	s1 =	rddreg [dreg:$0x1];
	p0 =	sne.s32 s2, $0x0  }
0x78: {  	s3 =	rddreg [dreg:$0x2];
	[bflag:$0x3] =	sbarrier.arrive $0xFFFF;
	s2 =	simm.s32 @!p0 $0x1C05  }
0x79: {  	[timem:s3], [sflag:s2] =	dma.local @!p0 [hbm:s0], s1  }
0x7a: {  	s0 =	simm.s32 @!p0 $0x5  }
0x7b: {  	_ =	swait.ge @!p0 [sflag:s0], s1  }
0x7c: {  	s1 =	ssub.s32 @!p0 $0x0, s1;
	[sflag:s0] =	ssyncset.done @!p0 $0x0  }
0x7d: {  	[sflag:s0] =	ssyncadd.s32 @!p0 s1  }
0x7e: {  	[bflag:$0x3] =	sbarrier.arrive $0xFFFF  }
0x7f: {  	_ =	shalt  }

// kernel: gcn_degree_sc.3.cloned.1.call-start
scs
__scs_entry_jumppad:
0x0: {  	(pc) =	sbr.rel $0x88, $3  }
0x1: {  	(tag) =	ssettag $0x0;
	lr =	simm.s32 $0x1  }
0x2: {  	[smem:$0x3F9B] =	sst lr;
	_ =	strace $0xD0000000  }
0x3: {  	_ = 	snop  }
0x4: {  	_ = 	snop  }
0x5: {  	_ = 	snop  }
0x6: {  	_ = 	snop  }
0x7: {  	_ = 	snop  }
__scs_overlays_trampoline_lowered:
0x8: {  	[smem:$0x3FAA] =	sst s0  }
0x9: {  	[smem:$0x3FAB] =	sst s1  }
0xa: {  	[smem:$0x3FAC] =	sst s2  }
0xb: {  	[smem:$0x3FAD] =	sst s3  }
0xc: {  	[smem:$0x3FAE] =	sst s4  }
0xd: {  	[smem:$0x3FAF] =	sst s5  }
0xe: {  	[smem:$0x3FB0] =	sst s6  }
0xf: {  	[smem:$0x3FB1] =	sst s7  }
0x10: {  	[smem:$0x3FB2] =	sst s8  }
0x11: {  	[smem:$0x3FB3] =	sst s9;
	s0 =	simm.s32 @!p0 $0x0  }
0x12: {  	s1 =	sld [smem:$0x3F99];
	s0 =	simm.s32 @p0 $0x1  }
0x13: {  	[smem:$0x3FB4] =	sst s0;
	s0 =	simm.s32 @!p1 $0x0  }
0x14: {  	s2 =	sld [smem:$0x3F98];
	s0 =	simm.s32 @p1 $0x1  }
0x15: {  	[smem:$0x3FB5] =	sst s0;
	s0 =	simm.s32 @!p2 $0x0  }
0x16: {  	s3 =	sld [smem:$0x3FDB];
	s0 =	simm.s32 @p2 $0x1  }
0x17: {  	s4 =	simm.s32 $0x1BF5;
	[smem:$0x3FB7] =	sst s0  }
0x18: {  	s0 =	sld [smem:$0x3F9A];
	_ =	swait.ge [sflag:s4], $0x0  }
0x19: {  	s7 =	sld [smem:$0x3F9B]  }
0x1a: {  	s8 =	sadd.s32 $0xFFFFE003, lr  }
0x1b: {  	s9 =	sadd.s32 $0xFFFFFEF7, lr;
	s5 =	simm.s32 $0xFFFFFFFF;
	p2 =	slt.u32 s8, $0xFFFFF086  }
0x1c: {  	p1 =	slt.u32 s9, $0xF7A;
	s5 =	simm.s32 @!p2 $0x0  }
0x1d: {  	s5 =	simm.s32 @p1 $0x1;
	p0 =	seq.s32 s7, s2  }
0x1e: {  	s7 =	smul.u32 @!p0 $0xF7A, s2;
	p2 =	seq.s32 @!p0 s5, $0x0  }
0x1f: {  	s9 =	smul.u32 $0xF7A, s1;
	s8 =	simm.s32 @!p0 $0x1BF5;
	p2 =	por !p2, p0  }
0x20: {  	[sflag:s8] =	ssyncset.s32 @!p0 $0xFFFFF086;
	s6 =	sadd.s32 @!p0 s3, s7;
	s7 =	simm.s32 @!p0 $0x108  }
0x21: {  	s3 =	sadd.s32 s3, s9;
	s6 =	sadd.s32 @!p0 $0x88, s6;
	s7 =	simm.s32 @p2 $0x1082  }
0x22: {  	[simem:s7], [sflag:s8] =	dma.local @!p0 [hbm:s6], $0xF7A  }
0x23: {  	s9 =	sor.u32 $0xD0000000, s2;
	s6 =	simm.s32 $0x108;
	_ =	swait.ge @!p0 [sflag:s8], $0x0  }
0x24: {  	s3 =	sadd.s32 $0x88, s3;
	s6 =	simm.s32 @!p1 $0x1082;
	[sflag:s4] =	ssyncset.s32 $0xFFFFF086  }
0x25: {  	[simem:s6], [sflag:s4] =	dma.local [hbm:s3], $0xF7A  }
0x26: {  	[smem:$0x3F9B] =	sst s1;
	(tag) =	ssettag s2;
	_ =	strace s9  }
0x27: {  	s1 =	sld [smem:$0x3FAB]  }
0x28: {  	s2 =	sld [smem:$0x3FAC]  }
0x29: {  	s4 =	sld [smem:$0x3FAE]  }
0x2a: {  	p0 =	seq.s32 s5, $0x0;
	s5 =	sld [smem:$0x3FAF]  }
0x2b: {  	s6 =	sld [smem:$0x3FB0]  }
0x2c: {  	s7 =	sld [smem:$0x3FB1]  }
0x2d: {  	s3 =	simm.s32 $0x108;
	s8 =	sld [smem:$0x3FB2]  }
0x2e: {  	s3 =	simm.s32 @!p0 $0x1082;
	s9 =	sld [smem:$0x3FB3]  }
0x2f: {  	lr =	sadd.s32 s0, s3;
	s0 =	sld [smem:$0x3FAA]  }
0x30: {  	s3 =	sld [smem:$0x3FAD]  }
0x31: {  	[smem:$0x3FB6] =	sst s10  }
0x32: {  	s10 =	sld [smem:$0x3FB4];
	_ =	sdelay $0x3  }
0x33: {  	p0 =	seq.s32 s10, $0x1;
	s10 =	sld [smem:$0x3FB6];
	_ =	sdelay $0x3  }
0x34: {  	[smem:$0x3FB6] =	sst s10  }
0x35: {  	s10 =	sld [smem:$0x3FB5];
	_ =	sdelay $0x3  }
0x36: {  	p1 =	seq.s32 s10, $0x1;
	s10 =	sld [smem:$0x3FB6];
	_ =	sdelay $0x3  }
0x37: {  	[smem:$0x3FB6] =	sst s10  }
0x38: {  	s10 =	sld [smem:$0x3FB7]  }
0x39: {  	_ = 	snop;
	(pc) =	sbr.ind lr, $3  }
0x3a: {  	_ = 	snop  }
0x3b: {  	_ = 	snop  }
0x3c: {  	p2 =	seq.s32 s10, $0x1;
	s10 =	sld [smem:$0x3FB6]  }
0x3d: {  	_ =	shalt  }
0x3e: {  	_ =	shalt  }
0x3f: {  	_ =	shalt  }
0x40: {  	_ =	shalt  }
0x41: {  	_ =	shalt  }
0x42: {  	_ =	shalt  }
0x43: {  	_ =	shalt  }
0x44: {  	_ =	shalt  }
0x45: {  	_ =	shalt  }
0x46: {  	_ =	shalt  }
0x47: {  	_ =	shalt  }
0x48: {  	_ =	shalt  }
0x49: {  	_ =	shalt  }
0x4a: {  	_ =	shalt  }
0x4b: {  	_ =	shalt  }
0x4c: {  	_ =	shalt  }
0x4d: {  	_ =	shalt  }
0x4e: {  	_ =	shalt  }
0x4f: {  	_ =	shalt  }
0x50: {  	_ =	shalt  }
0x51: {  	_ =	shalt  }
0x52: {  	_ =	shalt  }
0x53: {  	_ =	shalt  }
0x54: {  	_ =	shalt  }
0x55: {  	_ =	shalt  }
0x56: {  	_ =	shalt  }
0x57: {  	_ =	shalt  }
0x58: {  	_ =	shalt  }
0x59: {  	_ =	shalt  }
0x5a: {  	_ =	shalt  }
0x5b: {  	_ =	shalt  }
0x5c: {  	_ =	shalt  }
0x5d: {  	_ =	shalt  }
0x5e: {  	_ =	shalt  }
0x5f: {  	_ =	shalt  }
0x60: {  	_ =	shalt  }
0x61: {  	_ =	shalt  }
0x62: {  	_ =	shalt  }
0x63: {  	_ =	shalt  }
0x64: {  	_ =	shalt  }
0x65: {  	_ =	shalt  }
0x66: {  	_ =	shalt  }
0x67: {  	_ =	shalt  }
0x68: {  	_ =	shalt  }
0x69: {  	_ =	shalt  }
0x6a: {  	_ =	shalt  }
0x6b: {  	_ =	shalt  }
0x6c: {  	_ =	shalt  }
0x6d: {  	_ =	shalt  }
0x6e: {  	_ =	shalt  }
0x6f: {  	_ =	shalt  }
0x70: {  	_ =	shalt  }
0x71: {  	_ =	shalt  }
0x72: {  	_ =	shalt  }
0x73: {  	_ =	shalt  }
0x74: {  	_ =	shalt  }
0x75: {  	_ =	shalt  }
0x76: {  	_ =	shalt  }
0x77: {  	_ =	shalt  }
0x78: {  	_ =	shalt  }
0x79: {  	_ =	shalt  }
0x7a: {  	_ =	shalt  }
0x7b: {  	_ =	shalt  }
0x7c: {  	_ =	shalt  }
0x7d: {  	_ =	shalt  }
0x7e: {  	_ =	shalt  }
0x7f: {  	_ =	shalt  }
0x80: {  	_ =	shalt  }
0x81: {  	_ =	shalt  }
0x82: {  	_ =	shalt  }
0x83: {  	_ =	shalt  }
0x84: {  	_ =	shalt  }
0x85: {  	_ =	shalt  }
0x86: {  	_ =	shalt  }
0x87: {  	_ =	shalt  }
.Lfunc_end0:
.L_simem_size_0:
called_computation_lowered:
.L_overlay_start_0:
0x88: {  	s2 =	sld [smem:$0x3FD9]  }
0x89: {  	s3 =	sld [smem:$0x3FFE];
	_ =	sdelay $0x1  }
0x8a: {  	s1 =	srdreg.scid  }
0x8b: {  	s0 =	sand.u32 $0x1, s1  }
0x8c: {  	s17 =	sshll.u32 s0, $0xA;
	s2 =	sadd.s32 s3, s2  }
0x8d: {  	s2 =	sadd.s32 s2, s17  }
0x8e: {  	[smem:$0x3FC2] =	sst s2  }
0x8f: {  	_ = 	snop  }
0x90: {  	s2 =	sld [smem:$0x3FD0];
	(tm) =	ssettm $0x1  }
0x91: {  	s18 =	sld [smem:$0x3FFB];
	_ =	sdelay $0x3  }
0x92: {  	_ =	strace s18  }
0x93: {  	s3 =	sld [smem:$0x3FFC];
	_ =	sdelay $0x3  }
0x94: {  	_ =	strace s3  }
0x95: {  	s3 =	sld [smem:$0x3FFD];
	_ =	sdelay $0x3  }
0x96: {  	_ =	strace s3  }
0x97: {  	_ =	strace $0x8FFFFFFF  }
0x98: {  	s19 =	sld [smem:$0x3FDB];
	_ =	sdelay $0x1  }
0x99: {  	s4 =	simm.s32 $_scs_section_size  }
0x9a: {  	s5 =	simm.s32 $_size__tile_overlayer_lowered;
	s6 =	simm.s32 $_tile_overlayer_lowered  }
0x9b: {  	s22 =	simm.s32 $0x1BFF;
	s21 =	sshll.u32 s6, $0x1;
	s3 =	sadd.s32 s4, s19  }
0x9c: {  	s7 =	simm.s32 $0x0;
	s20 =	sshll.u32 s5, $0x1;
	s5 =	sadd.s32 s21, s3  }
0x9d: {  	[timem:s7], [sflag:s22] =	dma.local [hbm:s5], s20  }
0x9e: {  	_ =	swait.ge [sflag:s22], s20  }
0x9f: {  	s4 =	ssub.s32 $0x0, s20;
	[sflag:s22] =	ssyncset.done $0x0  }
0xa0: {  	[sflag:s22] =	ssyncadd.s32 s4;
	_ =	sdelay $0x1  }
0xa1: {  	s23 =	simm.s32 $0x1B8B  }
0xa2: {  	_ =	swait.ge [sflag:s23], $0x1  }
0xa3: {  	[sflag:s23] =	ssyncset.done $0x0  }
0xa4: {  	s25 =	simm.s32 $0x1B8E;
	s24 =	sld [smem:$0x3FFE];
	[sflag:s23] =	ssyncadd.s32 $0xFFFFFFFF  }
0xa5: {  	s26 =	simm.s32 $execute0_lowered;
	[smem:$0x3FD2] =	sst s25  }
0xa6: {  	s5 =	sshll.u32 s26, $0x1;
	_ =	strace $0x80000046;
	[dreg:$0x1] =	wrdreg $0xFFFFFFFF  }
0xa7: {  	s28 =	simm.s32 $_size_execute0_lowered;
	s3 =	sadd.s32 s3, s5;
	[dreg:$0x0] =	wrdreg $0x0  }
0xa8: {  	s5 =	sshll.u32 s28, $0x1;
	[dreg:$0x2] =	wrdreg s3  }
0xa9: {  	[dreg:$0x3] =	wrdreg s5  }
0xaa: {  	[dreg:$0x4] =	wrdreg $0xC0  }
0xab: {  	_ =	task [dreg:s7], $0x5FFFF  }
0xac: {  	[dreg:$0x1] =	wrdreg $0xFFFFFFFF  }
0xad: {  	[dreg:$0x0] =	wrdreg $0x60  }
0xae: {  	[dreg:$0x2] =	wrdreg s24  }
0xaf: {  	[dreg:$0x3] =	wrdreg s2  }
0xb0: {  	[dreg:$0x4] =	wrdreg $0x68000  }
0xb1: {  	[dreg:$0x5] =	wrdreg $0x9  }
0xb2: {  	_ =	task.clear_ibuf [dreg:s7], $0x6FFFF;
	_ =	strace $0x90000046  }
0xb3: {  	s29 =	simm.s32 $0x9;
	_ =	strace $0x80000048  }
0xb4: {  	_ =	swait.ge [sflag:s29], $0x1  }
0xb5: {  	[sflag:s29] =	ssyncadd.s32 $0xFFFFFFFF  }
0xb6: {  	_ =	strace $0x90000048  }
0xb7: {  	_ =	sfence  }
0xb8: {  	s30 =	sld [smem:$0x0];
	_ =	sdelay $0x2  }
0xb9: {  	s31 =	sshll.u32 s1, $0xD;
	s1 =	sshrl.u32 s1, $0x2  }
0xba: {  	s3 =	sand.u32 $0x4000, s31;
	s1 =	sadd.s32 s1, s30  }
0xbb: {  	s0 =	sor.u32 s3, s0;
	s1 =	sshll.u32 s1, $0x11  }
0xbc: {  	s0 =	sor.u32 s1, s0  }
0xbd: {  	s0 =	sadd.s32 $0x8F2B, s0  }
0xbe: {  	[sflag:s0] =	ssyncadd.remote.s32 $0x1  }
0xbf: {  	_ =	sfence.sel $0xFFFF  }
0xc0: {  	[dreg:$0x0] =	wrdreg $0xFFFFFFFF;
	(pc) =	sbr.abs _section_cstart, $3  }
0xc1: {  	[dreg:$0x1] =	wrdreg $0xFFFFFFFF  }
0xc2: {  	_ =	task.clear_ibuf [dreg:s7], $0x2FFFF;
	_ =	strace $0x9FFFFFFF  }
0xc3: {  	(tm) =	ssettm $0x7FFFFFFF  }
tec
execute0_lowered:
.L_overlay_start_1:
0x0: {  	(tag) =	ssettag $0x1  }
0x1: {  	s5 =	rddreg [dreg:$0x0]  }
0x2: {  	s0 =	srdreg.scid;
	s6 =	rddreg [dreg:$0x1]  }
0x3: {  	s2 =	rddreg [dreg:$0x2];
	s4 =	sand.u32 $0x1, s0;
	s0 =	stileid.u32  }
0x4: {  	s3 =	simm.s32 $0x0;
	s13 =	simm.s32 $0x80;
	s8 =	smul.u32 $0x2780, s0  }
0x5: {  	s14 =	simm.s32 $0x0;
	[smem:$0x7FF] =	sst s3;
	s9 =	smul.u32 $0x27800, s4  }
0x6: {  	s1 =	sshll.u32 s4, $0x4;
	s10 =	ssub.s32 $0x2, s4;
	s11 =	smul.u32 $0x4F000, s0  }
0x7: {  	s4 =	sadd.s32 $0xBA00, s5;
	s31 =	sshll.u32 s0, $0x6;
	s7 =	sor.u32 s0, s1  }
0x8: {  	s1 =	rddreg [dreg:$0x3];
	_ =	strace $0x80000047;
	s12 =	sshrl.u32 s10, $0x1  }
0x9: {  	s7 =	smul.u32 $0x500, s7;
	s9 =	sadd.s32 s8, s9;
	s10 =	ssub.s32 s10, s12  }
0xa: {  	s30 =	sshrl.u32 s11, $0x2;
	s12 =	simm.s32 $0x2800;
	s9 =	sadd.s32 s9, s5  }
0xb: {  	s11 =	sadd.s32 s30, s2;
	s7 =	sadd.s32 s7, s5;
	s5 =	sadd.s32 s6, s8  }
0xc: {  	s6 =	sor.u32 $0x1C01, s31;
	s8 =	sadd.s32 $0xC200, s9;
	s9 =	smax.u32 s10, $0x1  }
0xd: {  	s10 =	sshrl.u32 s11, $0x3;
	s11 =	simm.s32 $0x1;
	s7 =	sadd.s32 $0x1A00, s7  }
.LBB2_1:
0xe: {  	[spmem:s10], [sflag:s6] =	dma.local [hbm:s5], $0x2780  }
0xf: {  	_ =	swait.ge [sflag:s11], $0x2780  }
0x10: {  	[sflag:s11] =	ssyncset.done $0x0  }
0x11: {  	[sflag:s11] =	ssyncadd.s32 $0xFFFFD880  }
0x12: {  	[tilespmem:s12], [sflag:$0x1] =	stream.linear.gather [hbm4b:s4+s3], $0x4000, $0x38;
	[tilespmem:$0x1A400] =	vst v63  }
0x13: {  	_ =	swait.ge [sflag:s11], $0x4000  }
0x14: {  	[sflag:s11] =	ssyncset.done $0x0  }
0x15: {  	[sflag:s11] =	ssyncadd.s32 $0xFFFFC000  }
0x16: {  	[tilespmem:s3], [sflag:$0x1] =	stream.linear.gather [hbm4b:s7+s3], $0x2800, $0x38;
	[tilespmem:$0x1A400] =	vst v63  }
0x17: {  	_ =	swait.ge [sflag:s11], $0x2800  }
0x18: {  	[sflag:s11] =	ssyncset.done $0x0  }
0x19: {  	[sflag:s11] =	ssyncadd.s32 $0xFFFFD800  }
0x1a: {  	s15 =	simm.s32 $0x0;
	[bflag:$0x0] =	sbarrier.arrive $0xFFFF  }
0x1b: {  	[spmem:s2] =	stream.indirect.scatter.add.f32 [tilespmem:s12], [sflag:$0x1], $0x80, s15, s13, $0xb8;
	[tilespmem:$0x1A400] =	vst v63  }
0x1c: {  	_ =	swait.ge [sflag:s11], $0x4000  }
0x1d: {  	s15 =	simm.s32 $0x200;
	[sflag:s11] =	ssyncset.done $0x0  }
.LBB2_2:
0x1e: {  	s16 =	sshra.s32 s15, $0x2;
	[sflag:s11] =	ssyncadd.s32 $0xFFFFC000;
	p0 =	sne.s32 s15, $0x9E00  }
0x1f: {  	[spmem:s2] =	stream.indirect.scatter.add.f32 [tilespmem:s12], [sflag:$0x1], $0x80, s16, s13, $0xb8;
	[tilespmem:$0x1A400] =	vst v63  }
.Ltmp0:
0x20: {  	_ = 	snop;
	(pc) =	sbr.rel @p0 .LBB2_2-.Ltmp0, $4  }
0x21: {  	_ = 	snop  }
0x22: {  	s15 =	sadd.s32 $0x200, s15  }
0x23: {  	_ =	swait.ge [sflag:s11], $0x4000  }
0x24: {  	[sflag:s11] =	ssyncset.done $0x0  }
0x25: {  	s14 =	sadd.s32 $0x1, s14  }
0x26: {  	[sflag:s11] =	ssyncadd.s32 $0xFFFFC000;
	p0 =	sne.s32 s14, s9  }
.Ltmp1:
0x27: {  	[bflag:$0x0] =	sbarrier.arrive $0xFFFF;
	(pc) =	sbr.rel @p0 .LBB2_1-.Ltmp1, $4  }
0x28: {  	[hbm:s8], [sflag:s6] =	dma.local [spmem:s10], $0x2780  }
0x29: {  	_ =	swait.ge [sflag:s11], $0x2780  }
0x2a: {  	[sflag:s11] =	ssyncset.done $0x0  }
0x2b: {  	[sflag:s11] =	ssyncadd.s32 $0xFFFFD880  }
0x2c: {  	_ =	sfence.sel $0x180000  }
0x2d: {  	[bflag:$0x0] =	sbarrier.arrive $0xFFFF  }
0x2e: {  	p0 =	sne.s32 s0, $0x0;
	_ =	strace $0x90000047  }
0x2f: {  	s0 =	sadd.s32 @!p0 $0x100000, s1;
	[bflag:$0x2] =	sbarrier.arrive $0xFFFF  }
0x30: {  	[sflag:s0] =	ssyncadd.tile.s32 @!p0 $0x1;
	_ =	shalt  }
.Lfunc_end2:
_tile_overlayer_lowered:
.L_overlay_start_2:
0x31: {  	(tag) =	ssettag $0x2  }
0x32: {  	s0 =	rddreg [dreg:$0x0];
	s2 =	stileid.u32  }
0x33: {  	s1 =	rddreg [dreg:$0x1];
	p0 =	sne.s32 s2, $0x0  }
0x34: {  	s3 =	rddreg [dreg:$0x2];
	[bflag:$0x3] =	sbarrier.arrive $0xFFFF;
	s2 =	simm.s32 @!p0 $0x1C01  }
0x35: {  	[timem:s3], [sflag:s2] =	dma.local @!p0 [hbm:s0], s1  }
0x36: {  	s0 =	simm.s32 @!p0 $0x1  }
0x37: {  	_ =	swait.ge @!p0 [sflag:s0], s1  }
0x38: {  	s1 =	ssub.s32 @!p0 $0x0, s1;
	[sflag:s0] =	ssyncset.done @!p0 $0x0  }
0x39: {  	[sflag:s0] =	ssyncadd.s32 @!p0 s1  }
0x3a: {  	[bflag:$0x3] =	sbarrier.arrive $0xFFFF  }
0x3b: {  	_ =	shalt  }

</sc_bundles>
